<compile_context>
chip_gen: v7x
topology: tpu7x:2x2x1
jax: 0.10.2.dev20260603
libtpu: 0.0.44.dev20260713+nightly
codegen_flags: <defaults>
</compile_context>

<pallas_src>
import jax
import jax.numpy as jnp
from jax import lax
from jax.experimental import pallas as pl
from jax.experimental.pallas import tpu as pltpu
from jax.experimental.pallas import tpu_sc as plsc

N_NODES = 10000
D = 128
N_EDGES = 320000

NC = 2
NS = 16
NW = NC * NS

CHUNK = 64
CPW = 160
EPW = CHUNK * CPW
E_PAD = EPW * NW
NPAD = 10240
RPS = NPAD // NS
KD = RPS // CHUNK


def _sc_body(x_h, col_h, row_h, ones_h, zagg_h, zidx_h,
             agg_o, deg_o,
             agg_sh, deg_sh, col_v, row_v, buf0, buf1, ones_v, zidx_v,
             gsem0, gsem1, dsem):
    cid = lax.axis_index("c")
    sid = lax.axis_index("s")
    wid = cid * NS + sid

    pltpu.sync_copy(ones_h, ones_v)
    pltpu.sync_copy(zidx_h.at[sid], zidx_v)
    pltpu.sync_copy(col_h.at[wid], col_v)
    pltpu.sync_copy(row_h.at[wid], row_v)
    pltpu.sync_copy(zagg_h, agg_sh.at[pl.ds(sid * RPS, RPS)])
    for k in range(KD):
        pltpu.sync_copy(ones_v, deg_sh.at[zidx_v.at[k]])
    plsc.subcore_barrier()

    pltpu.async_copy(x_h.at[col_v.at[0]], buf0, gsem0)
    pltpu.async_copy(x_h.at[col_v.at[1]], buf1, gsem1)
    pltpu.async_copy(ones_v, deg_sh.at[row_v.at[0]], dsem, add=True)
    pltpu.async_copy(ones_v, deg_sh.at[row_v.at[1]], dsem, add=True)

    def step(i, carry):
        c = i * 2

        pltpu.make_async_copy(x_h.at[col_v.at[c]], buf0, gsem0).wait()
        pltpu.sync_copy(buf0, agg_sh.at[row_v.at[c]], add=True)
        pltpu.make_async_copy(ones_v, deg_sh.at[row_v.at[c]], dsem).wait()
        pltpu.async_copy(ones_v, deg_sh.at[row_v.at[c + 2]], dsem, add=True)
        pltpu.async_copy(x_h.at[col_v.at[c + 2]], buf0, gsem0)

        pltpu.make_async_copy(x_h.at[col_v.at[c + 1]], buf1, gsem1).wait()
        pltpu.sync_copy(buf1, agg_sh.at[row_v.at[c + 1]], add=True)
        pltpu.make_async_copy(ones_v, deg_sh.at[row_v.at[c + 1]], dsem).wait()
        pltpu.async_copy(ones_v, deg_sh.at[row_v.at[c + 3]], dsem, add=True)
        pltpu.async_copy(x_h.at[col_v.at[c + 3]], buf1, gsem1)

        return carry

    lax.fori_loop(0, CPW // 2, step, 0)
    pltpu.make_async_copy(x_h.at[col_v.at[CPW]], buf0, gsem0).wait()
    pltpu.make_async_copy(x_h.at[col_v.at[CPW + 1]], buf1, gsem1).wait()
    pltpu.make_async_copy(ones_v, deg_sh.at[row_v.at[CPW]], dsem).wait()
    pltpu.make_async_copy(ones_v, deg_sh.at[row_v.at[CPW + 1]], dsem).wait()

    plsc.subcore_barrier()
    pltpu.sync_copy(agg_sh.at[pl.ds(sid * RPS, RPS)],
                    agg_o.at[cid, pl.ds(sid * RPS, RPS)])
    for k in range(KD):
        pltpu.sync_copy(deg_sh.at[zidx_v.at[k]], ones_v)
        pltpu.sync_copy(ones_v, deg_o.at[cid, sid, k])


def _sc_aggregate(x, col3, row3, ones16, zagg, zidx):
    mesh = plsc.VectorSubcoreMesh(core_axis_name="c", subcore_axis_name="s")
    return pl.kernel(
        _sc_body,
        out_type=[
            jax.ShapeDtypeStruct((NC, NPAD, D), jnp.float32),
            jax.ShapeDtypeStruct((NC, NS, KD, CHUNK, 16), jnp.float32),
        ],
        mesh=mesh,
        compiler_params=pltpu.CompilerParams(use_tc_tiling_on_sc=False),
        scratch_types=[
            pltpu.VMEM_SHARED((NPAD, D), jnp.float32),
            pltpu.VMEM_SHARED((NPAD, 16), jnp.float32),
            pltpu.VMEM((CPW + 2, CHUNK), jnp.int32),
            pltpu.VMEM((CPW + 2, CHUNK), jnp.int32),
            pltpu.VMEM((CHUNK, D), jnp.float32),
            pltpu.VMEM((CHUNK, D), jnp.float32),
            pltpu.VMEM((CHUNK, 16), jnp.float32),
            pltpu.VMEM((KD, CHUNK), jnp.int32),
            pltpu.SemaphoreType.DMA,
            pltpu.SemaphoreType.DMA,
            pltpu.SemaphoreType.DMA,
        ],
    )(x, col3, row3, ones16, zagg, zidx)


def _tc_body(a_ref, d_ref, wt_ref, b_ref, o_ref):
    agg = a_ref[0] + a_ref[1]
    deg = d_ref[0, :, 0:1] + d_ref[1, :, 0:1] - 2.0
    deg = jnp.maximum(deg, 1.0)
    h = agg / deg
    acc = jnp.dot(h, wt_ref[...], preferred_element_type=jnp.float32)
    o_ref[...] = jnp.maximum(acc + b_ref[...], 0.0)


def _tc_finish(agg_p, deg_p, wt, b2):
    bm = 1024
    grid = (NPAD // bm,)
    return pl.pallas_call(
        _tc_body,
        grid=grid,
        in_specs=[
            pl.BlockSpec((NC, bm, D), lambda i: (0, i, 0)),
            pl.BlockSpec((NC, bm, 16), lambda i: (0, i, 0)),
            pl.BlockSpec((D, D), lambda i: (0, 0)),
            pl.BlockSpec((1, D), lambda i: (0, 0)),
        ],
        out_specs=pl.BlockSpec((bm, D), lambda i: (i, 0)),
        out_shape=jax.ShapeDtypeStruct((NPAD, D), jnp.float32),
    )(agg_p, deg_p, wt, b2)


def kernel(x, edge_index, W, b):
    row = edge_index[0].astype(jnp.int32)
    col = edge_index[1].astype(jnp.int32)
    pad = E_PAD - N_EDGES
    col_p = jnp.concatenate([col, jnp.zeros((pad,), jnp.int32)])
    row_p = jnp.concatenate([row, jnp.full((pad,), N_NODES, jnp.int32)])
    col3 = jnp.concatenate(
        [col_p.reshape(NW, CPW, CHUNK),
         jnp.zeros((NW, 2, CHUNK), jnp.int32)], axis=1)
    row3 = jnp.concatenate(
        [row_p.reshape(NW, CPW, CHUNK),
         jnp.full((NW, 2, CHUNK), N_NODES, jnp.int32)], axis=1)

    ones16 = jnp.ones((CHUNK, 16), jnp.float32)
    zagg = jnp.zeros((RPS, D), jnp.float32)
    zidx = (jnp.arange(NS, dtype=jnp.int32)[:, None, None] * RPS
            + jnp.arange(KD, dtype=jnp.int32)[None, :, None] * CHUNK
            + jnp.arange(CHUNK, dtype=jnp.int32)[None, None, :])

    agg_p, deg_p = _sc_aggregate(x, col3, row3, ones16, zagg, zidx)

    deg_p = deg_p.reshape(NC, NPAD, 16)
    out = _tc_finish(agg_p, deg_p, W.T, b.reshape(1, D))
    return out[:N_NODES]

# --- scband reference (transcript-rebuilt; emitter-appended) ---
"""Pipeline reference for scband-simple-gnnlayer-69209103008309 (READ-ONLY COPY).

The authoritative reference and input builder live on the scoring server;
editing this copy changes nothing except your own understanding.
"""

import jax, jax.numpy as jnp
import numpy as np

N_NODES = 10000
D_IN = 128
D_OUT = 128
N_EDGES = 320000

def setup_inputs(seed: int = 0) -> dict:
    key = jax.random.key(seed)
    k1, k2, k3, k4 = jax.random.split(key, 4)
    x = jax.random.normal(k1, (N_NODES, D_IN), dtype=jnp.float32)
    edge_index = jax.random.randint(k2, (2, N_EDGES), 0, N_NODES, dtype=jnp.int64)
    # nn.Linear(in_dim, out_dim): weight [out, in], bias [out]
    bound = 1.0 / np.sqrt(D_IN)
    W = jax.random.uniform(k3, (D_OUT, D_IN), minval=-bound, maxval=bound, dtype=jnp.float32)
    b = jax.random.uniform(k4, (D_OUT,), minval=-bound, maxval=bound, dtype=jnp.float32)
    return {"x": x, "edge_index": edge_index, "W": W, "b": b}

def reference(x, edge_index, W, b):
    row = edge_index[0]
    col = edge_index[1]
    # agg = zeros_like(x); agg.index_add_(0, row, x[col])
    gathered = jnp.take(x, col, axis=0)
    agg = jnp.zeros_like(x).at[row].add(gathered)
    # deg = bincount(row, minlength=N).clamp(min=1)
    deg = jnp.bincount(row, minlength=x.shape[0], length=x.shape[0])
    deg = jnp.clip(deg, 1, None).astype(x.dtype)[:, None]
    agg = agg / deg
    # relu(linear(agg))
    out = jax.nn.relu(agg @ W.T + b)
    return out

if __name__ == "__main__":
    import jax
    _d = setup_inputs()
    print(jax.jit(kernel)(*tuple(_d.values())))

</pallas_src>

<mosaic_0001>
#map = affine_map<(d0, d1) -> (0, 0)>
#map1 = affine_map<(d0, d1) -> (0, 0, 0)>
#map2 = affine_map<(d0, d1) -> (0, 0, 0, 0, 0)>
module attributes {stable_mosaic.version = 14 : i64} {
  func.func @_sc_body(%arg0: i32, %arg1: i32, %arg2: memref<10000x128xf32, #tpu.memory_space<hbm>>, %arg3: memref<32x162x64xi32, #tpu.memory_space<hbm>>, %arg4: memref<32x162x64xi32, #tpu.memory_space<hbm>>, %arg5: memref<64x16xf32, #tpu.memory_space<hbm>>, %arg6: memref<640x128xf32, #tpu.memory_space<hbm>>, %arg7: memref<16x10x64xi32, #tpu.memory_space<hbm>>, %arg8: memref<2x10240x128xf32, #tpu.memory_space<hbm>>, %arg9: memref<2x16x10x64x16xf32, #tpu.memory_space<hbm>>, %arg10: memref<10240x128xf32, #tpu.memory_space<vmem_shared>>, %arg11: memref<10240x16xf32, #tpu.memory_space<vmem_shared>>, %arg12: memref<162x64xi32, #tpu.memory_space<vmem>>, %arg13: memref<162x64xi32, #tpu.memory_space<vmem>>, %arg14: memref<64x128xf32, #tpu.memory_space<vmem>>, %arg15: memref<64x128xf32, #tpu.memory_space<vmem>>, %arg16: memref<64x16xf32, #tpu.memory_space<vmem>>, %arg17: memref<10x64xi32, #tpu.memory_space<vmem>>, %arg18: memref<!tpu.dma_semaphore, #tpu.memory_space<semaphore_mem>>, %arg19: memref<!tpu.dma_semaphore, #tpu.memory_space<semaphore_mem>>, %arg20: memref<!tpu.dma_semaphore, #tpu.memory_space<semaphore_mem>>) attributes {dimension_semantics = [#tpu.dimension_semantics<core_parallel>, #tpu.dimension_semantics<subcore_parallel>], iteration_bounds = array<i64: 2, 16>, scalar_prefetch = 0 : i64, scratch_operands = 11 : i64, tpu.core_type = #tpu.core_type<sc_vector_subcore>, window_params = [{transform_indices = #map}, {transform_indices = #map1}, {transform_indices = #map1}, {transform_indices = #map}, {transform_indices = #map}, {transform_indices = #map1}, {transform_indices = #map1}, {transform_indices = #map2}]} {
    %mul3A = arith.constant 16 : i32
    %mul3A_0 = arith.muli %arg0, %mul3A : i32
    %add3A = arith.addi %mul3A_0, %arg1 : i32
    "tpu.region"() ({
      %run_scoped3A_96 = tpu.sem_alloc : memref<!tpu.dma_semaphore, #tpu.memory_space<semaphore_mem>>
      tpu.enqueue_dma source(%arg5 : memref<64x16xf32, #tpu.memory_space<hbm>>) target(%arg16 : memref<64x16xf32, #tpu.memory_space<vmem>>) target_semaphore(%run_scoped3A_96 : memref<!tpu.dma_semaphore, #tpu.memory_space<semaphore_mem>>)
      tpu.wait_dma2 semaphore(%run_scoped3A_96 : memref<!tpu.dma_semaphore, #tpu.memory_space<semaphore_mem>>) src(%arg5 : memref<64x16xf32, #tpu.memory_space<hbm>>) dst(%arg16 : memref<64x16xf32, #tpu.memory_space<vmem>>)
      tpu.yield
    }) : () -> ()
    "tpu.region"() ({
      %run_scoped3A_96 = tpu.sem_alloc : memref<!tpu.dma_semaphore, #tpu.memory_space<semaphore_mem>>
      %dma_start3A_97 = arith.constant 0 : i32
      %dma_start3A_98 = arith.constant 0 : i32
      %dma_start3A_99 = tpu.memref_slice %arg7[%arg1, %dma_start3A_97, %dma_start3A_98] : memref<16x10x64xi32, #tpu.memory_space<hbm>> -> memref<1x10x64xi32, #tpu.memory_space<hbm>>
      %dma_start3A_100 = tpu.memref_squeeze %dma_start3A_99 : memref<1x10x64xi32, #tpu.memory_space<hbm>> -> memref<10x64xi32, #tpu.memory_space<hbm>>
      %dma_start3A_101 = arith.constant 0 : i32
      %dma_start3A_102 = arith.constant 0 : i32
      %dma_start3A_103 = tpu.memref_slice %arg7[%arg1, %dma_start3A_101, %dma_start3A_102] : memref<16x10x64xi32, #tpu.memory_space<hbm>> -> memref<1x10x64xi32, #tpu.memory_space<hbm>>
      %dma_start3A_104 = tpu.memref_squeeze %dma_start3A_103 : memref<1x10x64xi32, #tpu.memory_space<hbm>> -> memref<10x64xi32, #tpu.memory_space<hbm>>
      tpu.enqueue_dma source(%dma_start3A_104 : memref<10x64xi32, #tpu.memory_space<hbm>>) target(%arg17 : memref<10x64xi32, #tpu.memory_space<vmem>>) target_semaphore(%run_scoped3A_96 : memref<!tpu.dma_semaphore, #tpu.memory_space<semaphore_mem>>)
      %dma_wait3A_105 = arith.constant 0 : i32
      %dma_wait3A_106 = arith.constant 0 : i32
      %dma_wait3A_107 = tpu.memref_slice %arg7[%arg1, %dma_wait3A_105, %dma_wait3A_106] : memref<16x10x64xi32, #tpu.memory_space<hbm>> -> memref<1x10x64xi32, #tpu.memory_space<hbm>>
      %dma_wait3A_108 = tpu.memref_squeeze %dma_wait3A_107 : memref<1x10x64xi32, #tpu.memory_space<hbm>> -> memref<10x64xi32, #tpu.memory_space<hbm>>
      %dma_wait3A_109 = arith.constant 0 : i32
      %dma_wait3A_110 = arith.constant 0 : i32
      %dma_wait3A_111 = tpu.memref_slice %arg7[%arg1, %dma_wait3A_109, %dma_wait3A_110] : memref<16x10x64xi32, #tpu.memory_space<hbm>> -> memref<1x10x64xi32, #tpu.memory_space<hbm>>
      %dma_wait3A_112 = tpu.memref_squeeze %dma_wait3A_111 : memref<1x10x64xi32, #tpu.memory_space<hbm>> -> memref<10x64xi32, #tpu.memory_space<hbm>>
      tpu.wait_dma2 semaphore(%run_scoped3A_96 : memref<!tpu.dma_semaphore, #tpu.memory_space<semaphore_mem>>) src(%dma_wait3A_112 : memref<10x64xi32, #tpu.memory_space<hbm>>) dst(%arg17 : memref<10x64xi32, #tpu.memory_space<vmem>>)
      tpu.yield
    }) : () -> ()
    "tpu.region"() ({
      %run_scoped3A_96 = tpu.sem_alloc : memref<!tpu.dma_semaphore, #tpu.memory_space<semaphore_mem>>
      %dma_start3A_97 = arith.constant 0 : i32
      %dma_start3A_98 = arith.constant 0 : i32
      %dma_start3A_99 = tpu.memref_slice %arg3[%add3A, %dma_start3A_97, %dma_start3A_98] : memref<32x162x64xi32, #tpu.memory_space<hbm>> -> memref<1x162x64xi32, #tpu.memory_space<hbm>>
      %dma_start3A_100 = tpu.memref_squeeze %dma_start3A_99 : memref<1x162x64xi32, #tpu.memory_space<hbm>> -> memref<162x64xi32, #tpu.memory_space<hbm>>
      %dma_start3A_101 = arith.constant 0 : i32
      %dma_start3A_102 = arith.constant 0 : i32
      %dma_start3A_103 = tpu.memref_slice %arg3[%add3A, %dma_start3A_101, %dma_start3A_102] : memref<32x162x64xi32, #tpu.memory_space<hbm>> -> memref<1x162x64xi32, #tpu.memory_space<hbm>>
      %dma_start3A_104 = tpu.memref_squeeze %dma_start3A_103 : memref<1x162x64xi32, #tpu.memory_space<hbm>> -> memref<162x64xi32, #tpu.memory_space<hbm>>
      tpu.enqueue_dma source(%dma_start3A_104 : memref<162x64xi32, #tpu.memory_space<hbm>>) target(%arg12 : memref<162x64xi32, #tpu.memory_space<vmem>>) target_semaphore(%run_scoped3A_96 : memref<!tpu.dma_semaphore, #tpu.memory_space<semaphore_mem>>)
      %dma_wait3A_105 = arith.constant 0 : i32
      %dma_wait3A_106 = arith.constant 0 : i32
      %dma_wait3A_107 = tpu.memref_slice %arg3[%add3A, %dma_wait3A_105, %dma_wait3A_106] : memref<32x162x64xi32, #tpu.memory_space<hbm>> -> memref<1x162x64xi32, #tpu.memory_space<hbm>>
      %dma_wait3A_108 = tpu.memref_squeeze %dma_wait3A_107 : memref<1x162x64xi32, #tpu.memory_space<hbm>> -> memref<162x64xi32, #tpu.memory_space<hbm>>
      %dma_wait3A_109 = arith.constant 0 : i32
      %dma_wait3A_110 = arith.constant 0 : i32
      %dma_wait3A_111 = tpu.memref_slice %arg3[%add3A, %dma_wait3A_109, %dma_wait3A_110] : memref<32x162x64xi32, #tpu.memory_space<hbm>> -> memref<1x162x64xi32, #tpu.memory_space<hbm>>
      %dma_wait3A_112 = tpu.memref_squeeze %dma_wait3A_111 : memref<1x162x64xi32, #tpu.memory_space<hbm>> -> memref<162x64xi32, #tpu.memory_space<hbm>>
      tpu.wait_dma2 semaphore(%run_scoped3A_96 : memref<!tpu.dma_semaphore, #tpu.memory_space<semaphore_mem>>) src(%dma_wait3A_112 : memref<162x64xi32, #tpu.memory_space<hbm>>) dst(%arg12 : memref<162x64xi32, #tpu.memory_space<vmem>>)
      tpu.yield
    }) : () -> ()
    "tpu.region"() ({
      %run_scoped3A_96 = tpu.sem_alloc : memref<!tpu.dma_semaphore, #tpu.memory_space<semaphore_mem>>
      %dma_start3A_97 = arith.constant 0 : i32
      %dma_start3A_98 = arith.constant 0 : i32
      %dma_start3A_99 = tpu.memref_slice %arg4[%add3A, %dma_start3A_97, %dma_start3A_98] : memref<32x162x64xi32, #tpu.memory_space<hbm>> -> memref<1x162x64xi32, #tpu.memory_space<hbm>>
      %dma_start3A_100 = tpu.memref_squeeze %dma_start3A_99 : memref<1x162x64xi32, #tpu.memory_space<hbm>> -> memref<162x64xi32, #tpu.memory_space<hbm>>
      %dma_start3A_101 = arith.constant 0 : i32
      %dma_start3A_102 = arith.constant 0 : i32
      %dma_start3A_103 = tpu.memref_slice %arg4[%add3A, %dma_start3A_101, %dma_start3A_102] : memref<32x162x64xi32, #tpu.memory_space<hbm>> -> memref<1x162x64xi32, #tpu.memory_space<hbm>>
      %dma_start3A_104 = tpu.memref_squeeze %dma_start3A_103 : memref<1x162x64xi32, #tpu.memory_space<hbm>> -> memref<162x64xi32, #tpu.memory_space<hbm>>
      tpu.enqueue_dma source(%dma_start3A_104 : memref<162x64xi32, #tpu.memory_space<hbm>>) target(%arg13 : memref<162x64xi32, #tpu.memory_space<vmem>>) target_semaphore(%run_scoped3A_96 : memref<!tpu.dma_semaphore, #tpu.memory_space<semaphore_mem>>)
      %dma_wait3A_105 = arith.constant 0 : i32
      %dma_wait3A_106 = arith.constant 0 : i32
      %dma_wait3A_107 = tpu.memref_slice %arg4[%add3A, %dma_wait3A_105, %dma_wait3A_106] : memref<32x162x64xi32, #tpu.memory_space<hbm>> -> memref<1x162x64xi32, #tpu.memory_space<hbm>>
      %dma_wait3A_108 = tpu.memref_squeeze %dma_wait3A_107 : memref<1x162x64xi32, #tpu.memory_space<hbm>> -> memref<162x64xi32, #tpu.memory_space<hbm>>
      %dma_wait3A_109 = arith.constant 0 : i32
      %dma_wait3A_110 = arith.constant 0 : i32
      %dma_wait3A_111 = tpu.memref_slice %arg4[%add3A, %dma_wait3A_109, %dma_wait3A_110] : memref<32x162x64xi32, #tpu.memory_space<hbm>> -> memref<1x162x64xi32, #tpu.memory_space<hbm>>
      %dma_wait3A_112 = tpu.memref_squeeze %dma_wait3A_111 : memref<1x162x64xi32, #tpu.memory_space<hbm>> -> memref<162x64xi32, #tpu.memory_space<hbm>>
      tpu.wait_dma2 semaphore(%run_scoped3A_96 : memref<!tpu.dma_semaphore, #tpu.memory_space<semaphore_mem>>) src(%dma_wait3A_112 : memref<162x64xi32, #tpu.memory_space<hbm>>) dst(%arg13 : memref<162x64xi32, #tpu.memory_space<vmem>>)
      tpu.yield
    }) : () -> ()
    %mul3A_1 = arith.constant 640 : i32
    %mul3A_2 = arith.muli %arg1, %mul3A_1 : i32
    "tpu.region"() ({
      %run_scoped3A_96 = tpu.sem_alloc : memref<!tpu.dma_semaphore, #tpu.memory_space<semaphore_mem>>
      %dma_start3A_97 = arith.constant 0 : i32
      %dma_start3A_98 = tpu.memref_slice %arg10[%mul3A_2, %dma_start3A_97] : memref<10240x128xf32, #tpu.memory_space<vmem_shared>> -> memref<640x128xf32, #tpu.memory_space<vmem_shared>>
      tpu.enqueue_dma source(%arg6 : memref<640x128xf32, #tpu.memory_space<hbm>>) target(%dma_start3A_98 : memref<640x128xf32, #tpu.memory_space<vmem_shared>>) target_semaphore(%run_scoped3A_96 : memref<!tpu.dma_semaphore, #tpu.memory_space<semaphore_mem>>)
      %dma_wait3A_99 = arith.constant 0 : i32
      %dma_wait3A_100 = tpu.memref_slice %arg10[%mul3A_2, %dma_wait3A_99] : memref<10240x128xf32, #tpu.memory_space<vmem_shared>> -> memref<640x128xf32, #tpu.memory_space<vmem_shared>>
      tpu.wait_dma2 semaphore(%run_scoped3A_96 : memref<!tpu.dma_semaphore, #tpu.memory_space<semaphore_mem>>) src(%arg6 : memref<640x128xf32, #tpu.memory_space<hbm>>) dst(%dma_wait3A_100 : memref<640x128xf32, #tpu.memory_space<vmem_shared>>)
      tpu.yield
    }) : () -> ()
    %run_scoped3A = arith.constant 0 : i32
    "tpu.region"() ({
      %run_scoped3A_96 = tpu.sem_alloc : memref<!tpu.dma_semaphore, #tpu.memory_space<semaphore_mem>>
      %dma_start3A_97 = arith.constant 0 : i32
      %dma_start3A_98 = tpu.memref_slice %arg17[%run_scoped3A, %dma_start3A_97] : memref<10x64xi32, #tpu.memory_space<vmem>> -> memref<1x64xi32, #tpu.memory_space<vmem>>
      %dma_start3A_99 = tpu.memref_squeeze %dma_start3A_98 : memref<1x64xi32, #tpu.memory_space<vmem>> -> memref<64xi32, #tpu.memory_space<vmem>>
      %dma_start3A_100 = arith.constant 0 : i32
      %dma_start3A_101 = arith.constant 0 : i32
      %dma_start3A_102 = tpu.memref_slice %arg11[%dma_start3A_100, %dma_start3A_101] : memref<10240x16xf32, #tpu.memory_space<vmem_shared>> -> memref<10240x16xf32, #tpu.memory_space<vmem_shared>>
      tpu.enqueue_indirect_dma source(%arg16 : memref<64x16xf32, #tpu.memory_space<vmem>>) target(%dma_start3A_102 : memref<10240x16xf32, #tpu.memory_space<vmem_shared>>) offsets(%dma_start3A_99 : memref<64xi32, #tpu.memory_space<vmem>>) semaphore(%run_scoped3A_96 : memref<!tpu.dma_semaphore, #tpu.memory_space<semaphore_mem>>)
      %dma_wait3A_103 = arith.constant 0 : i32
      %dma_wait3A_104 = tpu.memref_slice %arg17[%run_scoped3A, %dma_wait3A_103] : memref<10x64xi32, #tpu.memory_space<vmem>> -> memref<1x64xi32, #tpu.memory_space<vmem>>
      %dma_wait3A_105 = tpu.memref_squeeze %dma_wait3A_104 : memref<1x64xi32, #tpu.memory_space<vmem>> -> memref<64xi32, #tpu.memory_space<vmem>>
      %dma_wait3A_106 = arith.constant 0 : i32
      %dma_wait3A_107 = arith.constant 0 : i32
      %dma_wait3A_108 = tpu.memref_slice %arg11[%dma_wait3A_106, %dma_wait3A_107] : memref<10240x16xf32, #tpu.memory_space<vmem_shared>> -> memref<10240x16xf32, #tpu.memory_space<vmem_shared>>
      tpu.wait_indirect_dma semaphore(%run_scoped3A_96 : memref<!tpu.dma_semaphore, #tpu.memory_space<semaphore_mem>>) src(%arg16 : memref<64x16xf32, #tpu.memory_space<vmem>>) dst(%dma_wait3A_108 : memref<10240x16xf32, #tpu.memory_space<vmem_shared>>)
      tpu.yield
    }) : () -> ()
    %run_scoped3A_3 = arith.constant 1 : i32
    "tpu.region"() ({
      %run_scoped3A_96 = tpu.sem_alloc : memref<!tpu.dma_semaphore, #tpu.memory_space<semaphore_mem>>
      %dma_start3A_97 = arith.constant 0 : i32
      %dma_start3A_98 = tpu.memref_slice %arg17[%run_scoped3A_3, %dma_start3A_97] : memref<10x64xi32, #tpu.memory_space<vmem>> -> memref<1x64xi32, #tpu.memory_space<vmem>>
      %dma_start3A_99 = tpu.memref_squeeze %dma_start3A_98 : memref<1x64xi32, #tpu.memory_space<vmem>> -> memref<64xi32, #tpu.memory_space<vmem>>
      %dma_start3A_100 = arith.constant 0 : i32
      %dma_start3A_101 = arith.constant 0 : i32
      %dma_start3A_102 = tpu.memref_slice %arg11[%dma_start3A_100, %dma_start3A_101] : memref<10240x16xf32, #tpu.memory_space<vmem_shared>> -> memref<10240x16xf32, #tpu.memory_space<vmem_shared>>
      tpu.enqueue_indirect_dma source(%arg16 : memref<64x16xf32, #tpu.memory_space<vmem>>) target(%dma_start3A_102 : memref<10240x16xf32, #tpu.memory_space<vmem_shared>>) offsets(%dma_start3A_99 : memref<64xi32, #tpu.memory_space<vmem>>) semaphore(%run_scoped3A_96 : memref<!tpu.dma_semaphore, #tpu.memory_space<semaphore_mem>>)
      %dma_wait3A_103 = arith.constant 0 : i32
      %dma_wait3A_104 = tpu.memref_slice %arg17[%run_scoped3A_3, %dma_wait3A_103] : memref<10x64xi32, #tpu.memory_space<vmem>> -> memref<1x64xi32, #tpu.memory_space<vmem>>
      %dma_wait3A_105 = tpu.memref_squeeze %dma_wait3A_104 : memref<1x64xi32, #tpu.memory_space<vmem>> -> memref<64xi32, #tpu.memory_space<vmem>>
      %dma_wait3A_106 = arith.constant 0 : i32
      %dma_wait3A_107 = arith.constant 0 : i32
      %dma_wait3A_108 = tpu.memref_slice %arg11[%dma_wait3A_106, %dma_wait3A_107] : memref<10240x16xf32, #tpu.memory_space<vmem_shared>> -> memref<10240x16xf32, #tpu.memory_space<vmem_shared>>
      tpu.wait_indirect_dma semaphore(%run_scoped3A_96 : memref<!tpu.dma_semaphore, #tpu.memory_space<semaphore_mem>>) src(%arg16 : memref<64x16xf32, #tpu.memory_space<vmem>>) dst(%dma_wait3A_108 : memref<10240x16xf32, #tpu.memory_space<vmem_shared>>)
      tpu.yield
    }) : () -> ()
    %run_scoped3A_4 = arith.constant 2 : i32
    "tpu.region"() ({
      %run_scoped3A_96 = tpu.sem_alloc : memref<!tpu.dma_semaphore, #tpu.memory_space<semaphore_mem>>
      %dma_start3A_97 = arith.constant 0 : i32
      %dma_start3A_98 = tpu.memref_slice %arg17[%run_scoped3A_4, %dma_start3A_97] : memref<10x64xi32, #tpu.memory_space<vmem>> -> memref<1x64xi32, #tpu.memory_space<vmem>>
      %dma_start3A_99 = tpu.memref_squeeze %dma_start3A_98 : memref<1x64xi32, #tpu.memory_space<vmem>> -> memref<64xi32, #tpu.memory_space<vmem>>
      %dma_start3A_100 = arith.constant 0 : i32
      %dma_start3A_101 = arith.constant 0 : i32
      %dma_start3A_102 = tpu.memref_slice %arg11[%dma_start3A_100, %dma_start3A_101] : memref<10240x16xf32, #tpu.memory_space<vmem_shared>> -> memref<10240x16xf32, #tpu.memory_space<vmem_shared>>
      tpu.enqueue_indirect_dma source(%arg16 : memref<64x16xf32, #tpu.memory_space<vmem>>) target(%dma_start3A_102 : memref<10240x16xf32, #tpu.memory_space<vmem_shared>>) offsets(%dma_start3A_99 : memref<64xi32, #tpu.memory_space<vmem>>) semaphore(%run_scoped3A_96 : memref<!tpu.dma_semaphore, #tpu.memory_space<semaphore_mem>>)
      %dma_wait3A_103 = arith.constant 0 : i32
      %dma_wait3A_104 = tpu.memref_slice %arg17[%run_scoped3A_4, %dma_wait3A_103] : memref<10x64xi32, #tpu.memory_space<vmem>> -> memref<1x64xi32, #tpu.memory_space<vmem>>
      %dma_wait3A_105 = tpu.memref_squeeze %dma_wait3A_104 : memref<1x64xi32, #tpu.memory_space<vmem>> -> memref<64xi32, #tpu.memory_space<vmem>>
      %dma_wait3A_106 = arith.constant 0 : i32
      %dma_wait3A_107 = arith.constant 0 : i32
      %dma_wait3A_108 = tpu.memref_slice %arg11[%dma_wait3A_106, %dma_wait3A_107] : memref<10240x16xf32, #tpu.memory_space<vmem_shared>> -> memref<10240x16xf32, #tpu.memory_space<vmem_shared>>
      tpu.wait_indirect_dma semaphore(%run_scoped3A_96 : memref<!tpu.dma_semaphore, #tpu.memory_space<semaphore_mem>>) src(%arg16 : memref<64x16xf32, #tpu.memory_space<vmem>>) dst(%dma_wait3A_108 : memref<10240x16xf32, #tpu.memory_space<vmem_shared>>)
      tpu.yield
    }) : () -> ()
    %run_scoped3A_5 = arith.constant 3 : i32
    "tpu.region"() ({
      %run_scoped3A_96 = tpu.sem_alloc : memref<!tpu.dma_semaphore, #tpu.memory_space<semaphore_mem>>
      %dma_start3A_97 = arith.constant 0 : i32
      %dma_start3A_98 = tpu.memref_slice %arg17[%run_scoped3A_5, %dma_start3A_97] : memref<10x64xi32, #tpu.memory_space<vmem>> -> memref<1x64xi32, #tpu.memory_space<vmem>>
      %dma_start3A_99 = tpu.memref_squeeze %dma_start3A_98 : memref<1x64xi32, #tpu.memory_space<vmem>> -> memref<64xi32, #tpu.memory_space<vmem>>
      %dma_start3A_100 = arith.constant 0 : i32
      %dma_start3A_101 = arith.constant 0 : i32
      %dma_start3A_102 = tpu.memref_slice %arg11[%dma_start3A_100, %dma_start3A_101] : memref<10240x16xf32, #tpu.memory_space<vmem_shared>> -> memref<10240x16xf32, #tpu.memory_space<vmem_shared>>
      tpu.enqueue_indirect_dma source(%arg16 : memref<64x16xf32, #tpu.memory_space<vmem>>) target(%dma_start3A_102 : memref<10240x16xf32, #tpu.memory_space<vmem_shared>>) offsets(%dma_start3A_99 : memref<64xi32, #tpu.memory_space<vmem>>) semaphore(%run_scoped3A_96 : memref<!tpu.dma_semaphore, #tpu.memory_space<semaphore_mem>>)
      %dma_wait3A_103 = arith.constant 0 : i32
      %dma_wait3A_104 = tpu.memref_slice %arg17[%run_scoped3A_5, %dma_wait3A_103] : memref<10x64xi32, #tpu.memory_space<vmem>> -> memref<1x64xi32, #tpu.memory_space<vmem>>
      %dma_wait3A_105 = tpu.memref_squeeze %dma_wait3A_104 : memref<1x64xi32, #tpu.memory_space<vmem>> -> memref<64xi32, #tpu.memory_space<vmem>>
      %dma_wait3A_106 = arith.constant 0 : i32
      %dma_wait3A_107 = arith.constant 0 : i32
      %dma_wait3A_108 = tpu.memref_slice %arg11[%dma_wait3A_106, %dma_wait3A_107] : memref<10240x16xf32, #tpu.memory_space<vmem_shared>> -> memref<10240x16xf32, #tpu.memory_space<vmem_shared>>
      tpu.wait_indirect_dma semaphore(%run_scoped3A_96 : memref<!tpu.dma_semaphore, #tpu.memory_space<semaphore_mem>>) src(%arg16 : memref<64x16xf32, #tpu.memory_space<vmem>>) dst(%dma_wait3A_108 : memref<10240x16xf32, #tpu.memory_space<vmem_shared>>)
      tpu.yield
    }) : () -> ()
    %run_scoped3A_6 = arith.constant 4 : i32
    "tpu.region"() ({
      %run_scoped3A_96 = tpu.sem_alloc : memref<!tpu.dma_semaphore, #tpu.memory_space<semaphore_mem>>
      %dma_start3A_97 = arith.constant 0 : i32
      %dma_start3A_98 = tpu.memref_slice %arg17[%run_scoped3A_6, %dma_start3A_97] : memref<10x64xi32, #tpu.memory_space<vmem>> -> memref<1x64xi32, #tpu.memory_space<vmem>>
      %dma_start3A_99 = tpu.memref_squeeze %dma_start3A_98 : memref<1x64xi32, #tpu.memory_space<vmem>> -> memref<64xi32, #tpu.memory_space<vmem>>
      %dma_start3A_100 = arith.constant 0 : i32
      %dma_start3A_101 = arith.constant 0 : i32
      %dma_start3A_102 = tpu.memref_slice %arg11[%dma_start3A_100, %dma_start3A_101] : memref<10240x16xf32, #tpu.memory_space<vmem_shared>> -> memref<10240x16xf32, #tpu.memory_space<vmem_shared>>
      tpu.enqueue_indirect_dma source(%arg16 : memref<64x16xf32, #tpu.memory_space<vmem>>) target(%dma_start3A_102 : memref<10240x16xf32, #tpu.memory_space<vmem_shared>>) offsets(%dma_start3A_99 : memref<64xi32, #tpu.memory_space<vmem>>) semaphore(%run_scoped3A_96 : memref<!tpu.dma_semaphore, #tpu.memory_space<semaphore_mem>>)
      %dma_wait3A_103 = arith.constant 0 : i32
      %dma_wait3A_104 = tpu.memref_slice %arg17[%run_scoped3A_6, %dma_wait3A_103] : memref<10x64xi32, #tpu.memory_space<vmem>> -> memref<1x64xi32, #tpu.memory_space<vmem>>
      %dma_wait3A_105 = tpu.memref_squeeze %dma_wait3A_104 : memref<1x64xi32, #tpu.memory_space<vmem>> -> memref<64xi32, #tpu.memory_space<vmem>>
      %dma_wait3A_106 = arith.constant 0 : i32
      %dma_wait3A_107 = arith.constant 0 : i32
      %dma_wait3A_108 = tpu.memref_slice %arg11[%dma_wait3A_106, %dma_wait3A_107] : memref<10240x16xf32, #tpu.memory_space<vmem_shared>> -> memref<10240x16xf32, #tpu.memory_space<vmem_shared>>
      tpu.wait_indirect_dma semaphore(%run_scoped3A_96 : memref<!tpu.dma_semaphore, #tpu.memory_space<semaphore_mem>>) src(%arg16 : memref<64x16xf32, #tpu.memory_space<vmem>>) dst(%dma_wait3A_108 : memref<10240x16xf32, #tpu.memory_space<vmem_shared>>)
      tpu.yield
    }) : () -> ()
    %run_scoped3A_7 = arith.constant 5 : i32
    "tpu.region"() ({
      %run_scoped3A_96 = tpu.sem_alloc : memref<!tpu.dma_semaphore, #tpu.memory_space<semaphore_mem>>
      %dma_start3A_97 = arith.constant 0 : i32
      %dma_start3A_98 = tpu.memref_slice %arg17[%run_scoped3A_7, %dma_start3A_97] : memref<10x64xi32, #tpu.memory_space<vmem>> -> memref<1x64xi32, #tpu.memory_space<vmem>>
      %dma_start3A_99 = tpu.memref_squeeze %dma_start3A_98 : memref<1x64xi32, #tpu.memory_space<vmem>> -> memref<64xi32, #tpu.memory_space<vmem>>
      %dma_start3A_100 = arith.constant 0 : i32
      %dma_start3A_101 = arith.constant 0 : i32
      %dma_start3A_102 = tpu.memref_slice %arg11[%dma_start3A_100, %dma_start3A_101] : memref<10240x16xf32, #tpu.memory_space<vmem_shared>> -> memref<10240x16xf32, #tpu.memory_space<vmem_shared>>
      tpu.enqueue_indirect_dma source(%arg16 : memref<64x16xf32, #tpu.memory_space<vmem>>) target(%dma_start3A_102 : memref<10240x16xf32, #tpu.memory_space<vmem_shared>>) offsets(%dma_start3A_99 : memref<64xi32, #tpu.memory_space<vmem>>) semaphore(%run_scoped3A_96 : memref<!tpu.dma_semaphore, #tpu.memory_space<semaphore_mem>>)
      %dma_wait3A_103 = arith.constant 0 : i32
      %dma_wait3A_104 = tpu.memref_slice %arg17[%run_scoped3A_7, %dma_wait3A_103] : memref<10x64xi32, #tpu.memory_space<vmem>> -> memref<1x64xi32, #tpu.memory_space<vmem>>
      %dma_wait3A_105 = tpu.memref_squeeze %dma_wait3A_104 : memref<1x64xi32, #tpu.memory_space<vmem>> -> memref<64xi32, #tpu.memory_space<vmem>>
      %dma_wait3A_106 = arith.constant 0 : i32
      %dma_wait3A_107 = arith.constant 0 : i32
      %dma_wait3A_108 = tpu.memref_slice %arg11[%dma_wait3A_106, %dma_wait3A_107] : memref<10240x16xf32, #tpu.memory_space<vmem_shared>> -> memref<10240x16xf32, #tpu.memory_space<vmem_shared>>
      tpu.wait_indirect_dma semaphore(%run_scoped3A_96 : memref<!tpu.dma_semaphore, #tpu.memory_space<semaphore_mem>>) src(%arg16 : memref<64x16xf32, #tpu.memory_space<vmem>>) dst(%dma_wait3A_108 : memref<10240x16xf32, #tpu.memory_space<vmem_shared>>)
      tpu.yield
    }) : () -> ()
    %run_scoped3A_8 = arith.constant 6 : i32
    "tpu.region"() ({
      %run_scoped3A_96 = tpu.sem_alloc : memref<!tpu.dma_semaphore, #tpu.memory_space<semaphore_mem>>
      %dma_start3A_97 = arith.constant 0 : i32
      %dma_start3A_98 = tpu.memref_slice %arg17[%run_scoped3A_8, %dma_start3A_97] : memref<10x64xi32, #tpu.memory_space<vmem>> -> memref<1x64xi32, #tpu.memory_space<vmem>>
      %dma_start3A_99 = tpu.memref_squeeze %dma_start3A_98 : memref<1x64xi32, #tpu.memory_space<vmem>> -> memref<64xi32, #tpu.memory_space<vmem>>
      %dma_start3A_100 = arith.constant 0 : i32
      %dma_start3A_101 = arith.constant 0 : i32
      %dma_start3A_102 = tpu.memref_slice %arg11[%dma_start3A_100, %dma_start3A_101] : memref<10240x16xf32, #tpu.memory_space<vmem_shared>> -> memref<10240x16xf32, #tpu.memory_space<vmem_shared>>
      tpu.enqueue_indirect_dma source(%arg16 : memref<64x16xf32, #tpu.memory_space<vmem>>) target(%dma_start3A_102 : memref<10240x16xf32, #tpu.memory_space<vmem_shared>>) offsets(%dma_start3A_99 : memref<64xi32, #tpu.memory_space<vmem>>) semaphore(%run_scoped3A_96 : memref<!tpu.dma_semaphore, #tpu.memory_space<semaphore_mem>>)
      %dma_wait3A_103 = arith.constant 0 : i32
      %dma_wait3A_104 = tpu.memref_slice %arg17[%run_scoped3A_8, %dma_wait3A_103] : memref<10x64xi32, #tpu.memory_space<vmem>> -> memref<1x64xi32, #tpu.memory_space<vmem>>
      %dma_wait3A_105 = tpu.memref_squeeze %dma_wait3A_104 : memref<1x64xi32, #tpu.memory_space<vmem>> -> memref<64xi32, #tpu.memory_space<vmem>>
      %dma_wait3A_106 = arith.constant 0 : i32
      %dma_wait3A_107 = arith.constant 0 : i32
      %dma_wait3A_108 = tpu.memref_slice %arg11[%dma_wait3A_106, %dma_wait3A_107] : memref<10240x16xf32, #tpu.memory_space<vmem_shared>> -> memref<10240x16xf32, #tpu.memory_space<vmem_shared>>
      tpu.wait_indirect_dma semaphore(%run_scoped3A_96 : memref<!tpu.dma_semaphore, #tpu.memory_space<semaphore_mem>>) src(%arg16 : memref<64x16xf32, #tpu.memory_space<vmem>>) dst(%dma_wait3A_108 : memref<10240x16xf32, #tpu.memory_space<vmem_shared>>)
      tpu.yield
    }) : () -> ()
    %run_scoped3A_9 = arith.constant 7 : i32
    "tpu.region"() ({
      %run_scoped3A_96 = tpu.sem_alloc : memref<!tpu.dma_semaphore, #tpu.memory_space<semaphore_mem>>
      %dma_start3A_97 = arith.constant 0 : i32
      %dma_start3A_98 = tpu.memref_slice %arg17[%run_scoped3A_9, %dma_start3A_97] : memref<10x64xi32, #tpu.memory_space<vmem>> -> memref<1x64xi32, #tpu.memory_space<vmem>>
      %dma_start3A_99 = tpu.memref_squeeze %dma_start3A_98 : memref<1x64xi32, #tpu.memory_space<vmem>> -> memref<64xi32, #tpu.memory_space<vmem>>
      %dma_start3A_100 = arith.constant 0 : i32
      %dma_start3A_101 = arith.constant 0 : i32
      %dma_start3A_102 = tpu.memref_slice %arg11[%dma_start3A_100, %dma_start3A_101] : memref<10240x16xf32, #tpu.memory_space<vmem_shared>> -> memref<10240x16xf32, #tpu.memory_space<vmem_shared>>
      tpu.enqueue_indirect_dma source(%arg16 : memref<64x16xf32, #tpu.memory_space<vmem>>) target(%dma_start3A_102 : memref<10240x16xf32, #tpu.memory_space<vmem_shared>>) offsets(%dma_start3A_99 : memref<64xi32, #tpu.memory_space<vmem>>) semaphore(%run_scoped3A_96 : memref<!tpu.dma_semaphore, #tpu.memory_space<semaphore_mem>>)
      %dma_wait3A_103 = arith.constant 0 : i32
      %dma_wait3A_104 = tpu.memref_slice %arg17[%run_scoped3A_9, %dma_wait3A_103] : memref<10x64xi32, #tpu.memory_space<vmem>> -> memref<1x64xi32, #tpu.memory_space<vmem>>
      %dma_wait3A_105 = tpu.memref_squeeze %dma_wait3A_104 : memref<1x64xi32, #tpu.memory_space<vmem>> -> memref<64xi32, #tpu.memory_space<vmem>>
      %dma_wait3A_106 = arith.constant 0 : i32
      %dma_wait3A_107 = arith.constant 0 : i32
      %dma_wait3A_108 = tpu.memref_slice %arg11[%dma_wait3A_106, %dma_wait3A_107] : memref<10240x16xf32, #tpu.memory_space<vmem_shared>> -> memref<10240x16xf32, #tpu.memory_space<vmem_shared>>
      tpu.wait_indirect_dma semaphore(%run_scoped3A_96 : memref<!tpu.dma_semaphore, #tpu.memory_space<semaphore_mem>>) src(%arg16 : memref<64x16xf32, #tpu.memory_space<vmem>>) dst(%dma_wait3A_108 : memref<10240x16xf32, #tpu.memory_space<vmem_shared>>)
      tpu.yield
    }) : () -> ()
    %run_scoped3A_10 = arith.constant 8 : i32
    "tpu.region"() ({
      %run_scoped3A_96 = tpu.sem_alloc : memref<!tpu.dma_semaphore, #tpu.memory_space<semaphore_mem>>
      %dma_start3A_97 = arith.constant 0 : i32
      %dma_start3A_98 = tpu.memref_slice %arg17[%run_scoped3A_10, %dma_start3A_97] : memref<10x64xi32, #tpu.memory_space<vmem>> -> memref<1x64xi32, #tpu.memory_space<vmem>>
      %dma_start3A_99 = tpu.memref_squeeze %dma_start3A_98 : memref<1x64xi32, #tpu.memory_space<vmem>> -> memref<64xi32, #tpu.memory_space<vmem>>
      %dma_start3A_100 = arith.constant 0 : i32
      %dma_start3A_101 = arith.constant 0 : i32
      %dma_start3A_102 = tpu.memref_slice %arg11[%dma_start3A_100, %dma_start3A_101] : memref<10240x16xf32, #tpu.memory_space<vmem_shared>> -> memref<10240x16xf32, #tpu.memory_space<vmem_shared>>
      tpu.enqueue_indirect_dma source(%arg16 : memref<64x16xf32, #tpu.memory_space<vmem>>) target(%dma_start3A_102 : memref<10240x16xf32, #tpu.memory_space<vmem_shared>>) offsets(%dma_start3A_99 : memref<64xi32, #tpu.memory_space<vmem>>) semaphore(%run_scoped3A_96 : memref<!tpu.dma_semaphore, #tpu.memory_space<semaphore_mem>>)
      %dma_wait3A_103 = arith.constant 0 : i32
      %dma_wait3A_104 = tpu.memref_slice %arg17[%run_scoped3A_10, %dma_wait3A_103] : memref<10x64xi32, #tpu.memory_space<vmem>> -> memref<1x64xi32, #tpu.memory_space<vmem>>
      %dma_wait3A_105 = tpu.memref_squeeze %dma_wait3A_104 : memref<1x64xi32, #tpu.memory_space<vmem>> -> memref<64xi32, #tpu.memory_space<vmem>>
      %dma_wait3A_106 = arith.constant 0 : i32
      %dma_wait3A_107 = arith.constant 0 : i32
      %dma_wait3A_108 = tpu.memref_slice %arg11[%dma_wait3A_106, %dma_wait3A_107] : memref<10240x16xf32, #tpu.memory_space<vmem_shared>> -> memref<10240x16xf32, #tpu.memory_space<vmem_shared>>
      tpu.wait_indirect_dma semaphore(%run_scoped3A_96 : memref<!tpu.dma_semaphore, #tpu.memory_space<semaphore_mem>>) src(%arg16 : memref<64x16xf32, #tpu.memory_space<vmem>>) dst(%dma_wait3A_108 : memref<10240x16xf32, #tpu.memory_space<vmem_shared>>)
      tpu.yield
    }) : () -> ()
    %run_scoped3A_11 = arith.constant 9 : i32
    "tpu.region"() ({
      %run_scoped3A_96 = tpu.sem_alloc : memref<!tpu.dma_semaphore, #tpu.memory_space<semaphore_mem>>
      %dma_start3A_97 = arith.constant 0 : i32
      %dma_start3A_98 = tpu.memref_slice %arg17[%run_scoped3A_11, %dma_start3A_97] : memref<10x64xi32, #tpu.memory_space<vmem>> -> memref<1x64xi32, #tpu.memory_space<vmem>>
      %dma_start3A_99 = tpu.memref_squeeze %dma_start3A_98 : memref<1x64xi32, #tpu.memory_space<vmem>> -> memref<64xi32, #tpu.memory_space<vmem>>
      %dma_start3A_100 = arith.constant 0 : i32
      %dma_start3A_101 = arith.constant 0 : i32
      %dma_start3A_102 = tpu.memref_slice %arg11[%dma_start3A_100, %dma_start3A_101] : memref<10240x16xf32, #tpu.memory_space<vmem_shared>> -> memref<10240x16xf32, #tpu.memory_space<vmem_shared>>
      tpu.enqueue_indirect_dma source(%arg16 : memref<64x16xf32, #tpu.memory_space<vmem>>) target(%dma_start3A_102 : memref<10240x16xf32, #tpu.memory_space<vmem_shared>>) offsets(%dma_start3A_99 : memref<64xi32, #tpu.memory_space<vmem>>) semaphore(%run_scoped3A_96 : memref<!tpu.dma_semaphore, #tpu.memory_space<semaphore_mem>>)
      %dma_wait3A_103 = arith.constant 0 : i32
      %dma_wait3A_104 = tpu.memref_slice %arg17[%run_scoped3A_11, %dma_wait3A_103] : memref<10x64xi32, #tpu.memory_space<vmem>> -> memref<1x64xi32, #tpu.memory_space<vmem>>
      %dma_wait3A_105 = tpu.memref_squeeze %dma_wait3A_104 : memref<1x64xi32, #tpu.memory_space<vmem>> -> memref<64xi32, #tpu.memory_space<vmem>>
      %dma_wait3A_106 = arith.constant 0 : i32
      %dma_wait3A_107 = arith.constant 0 : i32
      %dma_wait3A_108 = tpu.memref_slice %arg11[%dma_wait3A_106, %dma_wait3A_107] : memref<10240x16xf32, #tpu.memory_space<vmem_shared>> -> memref<10240x16xf32, #tpu.memory_space<vmem_shared>>
      tpu.wait_indirect_dma semaphore(%run_scoped3A_96 : memref<!tpu.dma_semaphore, #tpu.memory_space<semaphore_mem>>) src(%arg16 : memref<64x16xf32, #tpu.memory_space<vmem>>) dst(%dma_wait3A_108 : memref<10240x16xf32, #tpu.memory_space<vmem_shared>>)
      tpu.yield
    }) : () -> ()
    %barrier3A = arith.constant 0 : index
    tpu.barrier barrier_id(%barrier3A)
    %dma_start3A = arith.constant 0 : i32
    %dma_start3A_12 = arith.constant 0 : i32
    %dma_start3A_13 = tpu.memref_slice %arg12[%dma_start3A, %dma_start3A_12] : memref<162x64xi32, #tpu.memory_space<vmem>> -> memref<1x64xi32, #tpu.memory_space<vmem>>
    %dma_start3A_14 = tpu.memref_squeeze %dma_start3A_13 : memref<1x64xi32, #tpu.memory_space<vmem>> -> memref<64xi32, #tpu.memory_space<vmem>>
    %dma_start3A_15 = arith.constant 0 : i32
    %dma_start3A_16 = arith.constant 0 : i32
    %dma_start3A_17 = tpu.memref_slice %arg2[%dma_start3A_15, %dma_start3A_16] : memref<10000x128xf32, #tpu.memory_space<hbm>> -> memref<10000x128xf32, #tpu.memory_space<hbm>>
    tpu.enqueue_indirect_dma source(%dma_start3A_17 : memref<10000x128xf32, #tpu.memory_space<hbm>>) target(%arg14 : memref<64x128xf32, #tpu.memory_space<vmem>>) offsets(%dma_start3A_14 : memref<64xi32, #tpu.memory_space<vmem>>) semaphore(%arg18 : memref<!tpu.dma_semaphore, #tpu.memory_space<semaphore_mem>>)
    %dma_start3A_18 = arith.constant 1 : i32
    %dma_start3A_19 = arith.constant 0 : i32
    %dma_start3A_20 = tpu.memref_slice %arg12[%dma_start3A_18, %dma_start3A_19] : memref<162x64xi32, #tpu.memory_space<vmem>> -> memref<1x64xi32, #tpu.memory_space<vmem>>
    %dma_start3A_21 = tpu.memref_squeeze %dma_start3A_20 : memref<1x64xi32, #tpu.memory_space<vmem>> -> memref<64xi32, #tpu.memory_space<vmem>>
    %dma_start3A_22 = arith.constant 0 : i32
    %dma_start3A_23 = arith.constant 0 : i32
    %dma_start3A_24 = tpu.memref_slice %arg2[%dma_start3A_22, %dma_start3A_23] : memref<10000x128xf32, #tpu.memory_space<hbm>> -> memref<10000x128xf32, #tpu.memory_space<hbm>>
    tpu.enqueue_indirect_dma source(%dma_start3A_24 : memref<10000x128xf32, #tpu.memory_space<hbm>>) target(%arg15 : memref<64x128xf32, #tpu.memory_space<vmem>>) offsets(%dma_start3A_21 : memref<64xi32, #tpu.memory_space<vmem>>) semaphore(%arg19 : memref<!tpu.dma_semaphore, #tpu.memory_space<semaphore_mem>>)
    %dma_start3A_25 = arith.constant 0 : i32
    %dma_start3A_26 = arith.constant 0 : i32
    %dma_start3A_27 = tpu.memref_slice %arg13[%dma_start3A_25, %dma_start3A_26] : memref<162x64xi32, #tpu.memory_space<vmem>> -> memref<1x64xi32, #tpu.memory_space<vmem>>
    %dma_start3A_28 = tpu.memref_squeeze %dma_start3A_27 : memref<1x64xi32, #tpu.memory_space<vmem>> -> memref<64xi32, #tpu.memory_space<vmem>>
    %dma_start3A_29 = arith.constant 0 : i32
    %dma_start3A_30 = arith.constant 0 : i32
    %dma_start3A_31 = tpu.memref_slice %arg11[%dma_start3A_29, %dma_start3A_30] : memref<10240x16xf32, #tpu.memory_space<vmem_shared>> -> memref<10240x16xf32, #tpu.memory_space<vmem_shared>>
    tpu.enqueue_indirect_dma source(%arg16 : memref<64x16xf32, #tpu.memory_space<vmem>>) target(%dma_start3A_31 : memref<10240x16xf32, #tpu.memory_space<vmem_shared>>) offsets(%dma_start3A_28 : memref<64xi32, #tpu.memory_space<vmem>>) semaphore(%arg20 : memref<!tpu.dma_semaphore, #tpu.memory_space<semaphore_mem>>) {add = true}
    %dma_start3A_32 = arith.constant 1 : i32
    %dma_start3A_33 = arith.constant 0 : i32
    %dma_start3A_34 = tpu.memref_slice %arg13[%dma_start3A_32, %dma_start3A_33] : memref<162x64xi32, #tpu.memory_space<vmem>> -> memref<1x64xi32, #tpu.memory_space<vmem>>
    %dma_start3A_35 = tpu.memref_squeeze %dma_start3A_34 : memref<1x64xi32, #tpu.memory_space<vmem>> -> memref<64xi32, #tpu.memory_space<vmem>>
    %dma_start3A_36 = arith.constant 0 : i32
    %dma_start3A_37 = arith.constant 0 : i32
    %dma_start3A_38 = tpu.memref_slice %arg11[%dma_start3A_36, %dma_start3A_37] : memref<10240x16xf32, #tpu.memory_space<vmem_shared>> -> memref<10240x16xf32, #tpu.memory_space<vmem_shared>>
    tpu.enqueue_indirect_dma source(%arg16 : memref<64x16xf32, #tpu.memory_space<vmem>>) target(%dma_start3A_38 : memref<10240x16xf32, #tpu.memory_space<vmem_shared>>) offsets(%dma_start3A_35 : memref<64xi32, #tpu.memory_space<vmem>>) semaphore(%arg20 : memref<!tpu.dma_semaphore, #tpu.memory_space<semaphore_mem>>) {add = true}
    %scan3A = arith.constant 0 : i32
    %scan3A_39 = arith.constant 0 : i32
    %scan3A_40 = arith.constant 80 : i32
    %scan3A_41 = arith.addi %scan3A_39, %scan3A_40 : i32
    %scan3A_42 = arith.constant 1 : i32
    scf.for %scan3A_96 = %scan3A_39 to %scan3A_41 step %scan3A_42  : i32 {
      %mul3A_97 = arith.constant 2 : i32
      %mul3A_98 = arith.muli %scan3A_96, %mul3A_97 : i32
      %dma_wait3A_99 = arith.constant 0 : i32
      %dma_wait3A_100 = tpu.memref_slice %arg12[%mul3A_98, %dma_wait3A_99] : memref<162x64xi32, #tpu.memory_space<vmem>> -> memref<1x64xi32, #tpu.memory_space<vmem>>
      %dma_wait3A_101 = tpu.memref_squeeze %dma_wait3A_100 : memref<1x64xi32, #tpu.memory_space<vmem>> -> memref<64xi32, #tpu.memory_space<vmem>>
      %dma_wait3A_102 = arith.constant 0 : i32
      %dma_wait3A_103 = arith.constant 0 : i32
      %dma_wait3A_104 = tpu.memref_slice %arg2[%dma_wait3A_102, %dma_wait3A_103] : memref<10000x128xf32, #tpu.memory_space<hbm>> -> memref<10000x128xf32, #tpu.memory_space<hbm>>
      tpu.wait_indirect_dma semaphore(%arg18 : memref<!tpu.dma_semaphore, #tpu.memory_space<semaphore_mem>>) src(%dma_wait3A_104 : memref<10000x128xf32, #tpu.memory_space<hbm>>) dst(%arg14 : memref<64x128xf32, #tpu.memory_space<vmem>>)
      "tpu.region"() ({
        %run_scoped3A_161 = tpu.sem_alloc : memref<!tpu.dma_semaphore, #tpu.memory_space<semaphore_mem>>
        %dma_start3A_162 = arith.constant 0 : i32
        %dma_start3A_163 = tpu.memref_slice %arg13[%mul3A_98, %dma_start3A_162] : memref<162x64xi32, #tpu.memory_space<vmem>> -> memref<1x64xi32, #tpu.memory_space<vmem>>
        %dma_start3A_164 = tpu.memref_squeeze %dma_start3A_163 : memref<1x64xi32, #tpu.memory_space<vmem>> -> memref<64xi32, #tpu.memory_space<vmem>>
        %dma_start3A_165 = arith.constant 0 : i32
        %dma_start3A_166 = arith.constant 0 : i32
        %dma_start3A_167 = tpu.memref_slice %arg10[%dma_start3A_165, %dma_start3A_166] : memref<10240x128xf32, #tpu.memory_space<vmem_shared>> -> memref<10240x128xf32, #tpu.memory_space<vmem_shared>>
        tpu.enqueue_indirect_dma source(%arg14 : memref<64x128xf32, #tpu.memory_space<vmem>>) target(%dma_start3A_167 : memref<10240x128xf32, #tpu.memory_space<vmem_shared>>) offsets(%dma_start3A_164 : memref<64xi32, #tpu.memory_space<vmem>>) semaphore(%run_scoped3A_161 : memref<!tpu.dma_semaphore, #tpu.memory_space<semaphore_mem>>) {add = true}
        %dma_wait3A_168 = arith.constant 0 : i32
        %dma_wait3A_169 = tpu.memref_slice %arg13[%mul3A_98, %dma_wait3A_168] : memref<162x64xi32, #tpu.memory_space<vmem>> -> memref<1x64xi32, #tpu.memory_space<vmem>>
        %dma_wait3A_170 = tpu.memref_squeeze %dma_wait3A_169 : memref<1x64xi32, #tpu.memory_space<vmem>> -> memref<64xi32, #tpu.memory_space<vmem>>
        %dma_wait3A_171 = arith.constant 0 : i32
        %dma_wait3A_172 = arith.constant 0 : i32
        %dma_wait3A_173 = tpu.memref_slice %arg10[%dma_wait3A_171, %dma_wait3A_172] : memref<10240x128xf32, #tpu.memory_space<vmem_shared>> -> memref<10240x128xf32, #tpu.memory_space<vmem_shared>>
        tpu.wait_indirect_dma semaphore(%run_scoped3A_161 : memref<!tpu.dma_semaphore, #tpu.memory_space<semaphore_mem>>) src(%arg14 : memref<64x128xf32, #tpu.memory_space<vmem>>) dst(%dma_wait3A_173 : memref<10240x128xf32, #tpu.memory_space<vmem_shared>>)
        tpu.yield
      }) : () -> ()
      %dma_wait3A_105 = arith.constant 0 : i32
      %dma_wait3A_106 = tpu.memref_slice %arg13[%mul3A_98, %dma_wait3A_105] : memref<162x64xi32, #tpu.memory_space<vmem>> -> memref<1x64xi32, #tpu.memory_space<vmem>>
      %dma_wait3A_107 = tpu.memref_squeeze %dma_wait3A_106 : memref<1x64xi32, #tpu.memory_space<vmem>> -> memref<64xi32, #tpu.memory_space<vmem>>
      %dma_wait3A_108 = arith.constant 0 : i32
      %dma_wait3A_109 = arith.constant 0 : i32
      %dma_wait3A_110 = tpu.memref_slice %arg11[%dma_wait3A_108, %dma_wait3A_109] : memref<10240x16xf32, #tpu.memory_space<vmem_shared>> -> memref<10240x16xf32, #tpu.memory_space<vmem_shared>>
      tpu.wait_indirect_dma semaphore(%arg20 : memref<!tpu.dma_semaphore, #tpu.memory_space<semaphore_mem>>) src(%arg16 : memref<64x16xf32, #tpu.memory_space<vmem>>) dst(%dma_wait3A_110 : memref<10240x16xf32, #tpu.memory_space<vmem_shared>>)
      %add3A_111 = arith.constant 2 : i32
      %add3A_112 = arith.addi %mul3A_98, %add3A_111 : i32
      %dma_start3A_113 = arith.constant 0 : i32
      %dma_start3A_114 = tpu.memref_slice %arg13[%add3A_112, %dma_start3A_113] : memref<162x64xi32, #tpu.memory_space<vmem>> -> memref<1x64xi32, #tpu.memory_space<vmem>>
      %dma_start3A_115 = tpu.memref_squeeze %dma_start3A_114 : memref<1x64xi32, #tpu.memory_space<vmem>> -> memref<64xi32, #tpu.memory_space<vmem>>
      %dma_start3A_116 = arith.constant 0 : i32
      %dma_start3A_117 = arith.constant 0 : i32
      %dma_start3A_118 = tpu.memref_slice %arg11[%dma_start3A_116, %dma_start3A_117] : memref<10240x16xf32, #tpu.memory_space<vmem_shared>> -> memref<10240x16xf32, #tpu.memory_space<vmem_shared>>
      tpu.enqueue_indirect_dma source(%arg16 : memref<64x16xf32, #tpu.memory_space<vmem>>) target(%dma_start3A_118 : memref<10240x16xf32, #tpu.memory_space<vmem_shared>>) offsets(%dma_start3A_115 : memref<64xi32, #tpu.memory_space<vmem>>) semaphore(%arg20 : memref<!tpu.dma_semaphore, #tpu.memory_space<semaphore_mem>>) {add = true}
      %add3A_119 = arith.constant 2 : i32
      %add3A_120 = arith.addi %mul3A_98, %add3A_119 : i32
      %dma_start3A_121 = arith.constant 0 : i32
      %dma_start3A_122 = tpu.memref_slice %arg12[%add3A_120, %dma_start3A_121] : memref<162x64xi32, #tpu.memory_space<vmem>> -> memref<1x64xi32, #tpu.memory_space<vmem>>
      %dma_start3A_123 = tpu.memref_squeeze %dma_start3A_122 : memref<1x64xi32, #tpu.memory_space<vmem>> -> memref<64xi32, #tpu.memory_space<vmem>>
      %dma_start3A_124 = arith.constant 0 : i32
      %dma_start3A_125 = arith.constant 0 : i32
      %dma_start3A_126 = tpu.memref_slice %arg2[%dma_start3A_124, %dma_start3A_125] : memref<10000x128xf32, #tpu.memory_space<hbm>> -> memref<10000x128xf32, #tpu.memory_space<hbm>>
      tpu.enqueue_indirect_dma source(%dma_start3A_126 : memref<10000x128xf32, #tpu.memory_space<hbm>>) target(%arg14 : memref<64x128xf32, #tpu.memory_space<vmem>>) offsets(%dma_start3A_123 : memref<64xi32, #tpu.memory_space<vmem>>) semaphore(%arg18 : memref<!tpu.dma_semaphore, #tpu.memory_space<semaphore_mem>>)
      %add3A_127 = arith.constant 1 : i32
      %add3A_128 = arith.addi %mul3A_98, %add3A_127 : i32
      %dma_wait3A_129 = arith.constant 0 : i32
      %dma_wait3A_130 = tpu.memref_slice %arg12[%add3A_128, %dma_wait3A_129] : memref<162x64xi32, #tpu.memory_space<vmem>> -> memref<1x64xi32, #tpu.memory_space<vmem>>
      %dma_wait3A_131 = tpu.memref_squeeze %dma_wait3A_130 : memref<1x64xi32, #tpu.memory_space<vmem>> -> memref<64xi32, #tpu.memory_space<vmem>>
      %dma_wait3A_132 = arith.constant 0 : i32
      %dma_wait3A_133 = arith.constant 0 : i32
      %dma_wait3A_134 = tpu.memref_slice %arg2[%dma_wait3A_132, %dma_wait3A_133] : memref<10000x128xf32, #tpu.memory_space<hbm>> -> memref<10000x128xf32, #tpu.memory_space<hbm>>
      tpu.wait_indirect_dma semaphore(%arg19 : memref<!tpu.dma_semaphore, #tpu.memory_space<semaphore_mem>>) src(%dma_wait3A_134 : memref<10000x128xf32, #tpu.memory_space<hbm>>) dst(%arg15 : memref<64x128xf32, #tpu.memory_space<vmem>>)
      %add3A_135 = arith.constant 1 : i32
      %add3A_136 = arith.addi %mul3A_98, %add3A_135 : i32
      "tpu.region"() ({
        %run_scoped3A_161 = tpu.sem_alloc : memref<!tpu.dma_semaphore, #tpu.memory_space<semaphore_mem>>
        %dma_start3A_162 = arith.constant 0 : i32
        %dma_start3A_163 = tpu.memref_slice %arg13[%add3A_136, %dma_start3A_162] : memref<162x64xi32, #tpu.memory_space<vmem>> -> memref<1x64xi32, #tpu.memory_space<vmem>>
        %dma_start3A_164 = tpu.memref_squeeze %dma_start3A_163 : memref<1x64xi32, #tpu.memory_space<vmem>> -> memref<64xi32, #tpu.memory_space<vmem>>
        %dma_start3A_165 = arith.constant 0 : i32
        %dma_start3A_166 = arith.constant 0 : i32
        %dma_start3A_167 = tpu.memref_slice %arg10[%dma_start3A_165, %dma_start3A_166] : memref<10240x128xf32, #tpu.memory_space<vmem_shared>> -> memref<10240x128xf32, #tpu.memory_space<vmem_shared>>
        tpu.enqueue_indirect_dma source(%arg15 : memref<64x128xf32, #tpu.memory_space<vmem>>) target(%dma_start3A_167 : memref<10240x128xf32, #tpu.memory_space<vmem_shared>>) offsets(%dma_start3A_164 : memref<64xi32, #tpu.memory_space<vmem>>) semaphore(%run_scoped3A_161 : memref<!tpu.dma_semaphore, #tpu.memory_space<semaphore_mem>>) {add = true}
        %dma_wait3A_168 = arith.constant 0 : i32
        %dma_wait3A_169 = tpu.memref_slice %arg13[%add3A_136, %dma_wait3A_168] : memref<162x64xi32, #tpu.memory_space<vmem>> -> memref<1x64xi32, #tpu.memory_space<vmem>>
        %dma_wait3A_170 = tpu.memref_squeeze %dma_wait3A_169 : memref<1x64xi32, #tpu.memory_space<vmem>> -> memref<64xi32, #tpu.memory_space<vmem>>
        %dma_wait3A_171 = arith.constant 0 : i32
        %dma_wait3A_172 = arith.constant 0 : i32
        %dma_wait3A_173 = tpu.memref_slice %arg10[%dma_wait3A_171, %dma_wait3A_172] : memref<10240x128xf32, #tpu.memory_space<vmem_shared>> -> memref<10240x128xf32, #tpu.memory_space<vmem_shared>>
        tpu.wait_indirect_dma semaphore(%run_scoped3A_161 : memref<!tpu.dma_semaphore, #tpu.memory_space<semaphore_mem>>) src(%arg15 : memref<64x128xf32, #tpu.memory_space<vmem>>) dst(%dma_wait3A_173 : memref<10240x128xf32, #tpu.memory_space<vmem_shared>>)
        tpu.yield
      }) : () -> ()
      %add3A_137 = arith.constant 1 : i32
      %add3A_138 = arith.addi %mul3A_98, %add3A_137 : i32
      %dma_wait3A_139 = arith.constant 0 : i32
      %dma_wait3A_140 = tpu.memref_slice %arg13[%add3A_138, %dma_wait3A_139] : memref<162x64xi32, #tpu.memory_space<vmem>> -> memref<1x64xi32, #tpu.memory_space<vmem>>
      %dma_wait3A_141 = tpu.memref_squeeze %dma_wait3A_140 : memref<1x64xi32, #tpu.memory_space<vmem>> -> memref<64xi32, #tpu.memory_space<vmem>>
      %dma_wait3A_142 = arith.constant 0 : i32
      %dma_wait3A_143 = arith.constant 0 : i32
      %dma_wait3A_144 = tpu.memref_slice %arg11[%dma_wait3A_142, %dma_wait3A_143] : memref<10240x16xf32, #tpu.memory_space<vmem_shared>> -> memref<10240x16xf32, #tpu.memory_space<vmem_shared>>
      tpu.wait_indirect_dma semaphore(%arg20 : memref<!tpu.dma_semaphore, #tpu.memory_space<semaphore_mem>>) src(%arg16 : memref<64x16xf32, #tpu.memory_space<vmem>>) dst(%dma_wait3A_144 : memref<10240x16xf32, #tpu.memory_space<vmem_shared>>)
      %add3A_145 = arith.constant 3 : i32
      %add3A_146 = arith.addi %mul3A_98, %add3A_145 : i32
      %dma_start3A_147 = arith.constant 0 : i32
      %dma_start3A_148 = tpu.memref_slice %arg13[%add3A_146, %dma_start3A_147] : memref<162x64xi32, #tpu.memory_space<vmem>> -> memref<1x64xi32, #tpu.memory_space<vmem>>
      %dma_start3A_149 = tpu.memref_squeeze %dma_start3A_148 : memref<1x64xi32, #tpu.memory_space<vmem>> -> memref<64xi32, #tpu.memory_space<vmem>>
      %dma_start3A_150 = arith.constant 0 : i32
      %dma_start3A_151 = arith.constant 0 : i32
      %dma_start3A_152 = tpu.memref_slice %arg11[%dma_start3A_150, %dma_start3A_151] : memref<10240x16xf32, #tpu.memory_space<vmem_shared>> -> memref<10240x16xf32, #tpu.memory_space<vmem_shared>>
      tpu.enqueue_indirect_dma source(%arg16 : memref<64x16xf32, #tpu.memory_space<vmem>>) target(%dma_start3A_152 : memref<10240x16xf32, #tpu.memory_space<vmem_shared>>) offsets(%dma_start3A_149 : memref<64xi32, #tpu.memory_space<vmem>>) semaphore(%arg20 : memref<!tpu.dma_semaphore, #tpu.memory_space<semaphore_mem>>) {add = true}
      %add3A_153 = arith.constant 3 : i32
      %add3A_154 = arith.addi %mul3A_98, %add3A_153 : i32
      %dma_start3A_155 = arith.constant 0 : i32
      %dma_start3A_156 = tpu.memref_slice %arg12[%add3A_154, %dma_start3A_155] : memref<162x64xi32, #tpu.memory_space<vmem>> -> memref<1x64xi32, #tpu.memory_space<vmem>>
      %dma_start3A_157 = tpu.memref_squeeze %dma_start3A_156 : memref<1x64xi32, #tpu.memory_space<vmem>> -> memref<64xi32, #tpu.memory_space<vmem>>
      %dma_start3A_158 = arith.constant 0 : i32
      %dma_start3A_159 = arith.constant 0 : i32
      %dma_start3A_160 = tpu.memref_slice %arg2[%dma_start3A_158, %dma_start3A_159] : memref<10000x128xf32, #tpu.memory_space<hbm>> -> memref<10000x128xf32, #tpu.memory_space<hbm>>
      tpu.enqueue_indirect_dma source(%dma_start3A_160 : memref<10000x128xf32, #tpu.memory_space<hbm>>) target(%arg15 : memref<64x128xf32, #tpu.memory_space<vmem>>) offsets(%dma_start3A_157 : memref<64xi32, #tpu.memory_space<vmem>>) semaphore(%arg19 : memref<!tpu.dma_semaphore, #tpu.memory_space<semaphore_mem>>)
    }
    %scan3A_43 = arith.constant 80 : i32
    %dma_wait3A = arith.constant 160 : i32
    %dma_wait3A_44 = arith.constant 0 : i32
    %dma_wait3A_45 = tpu.memref_slice %arg12[%dma_wait3A, %dma_wait3A_44] : memref<162x64xi32, #tpu.memory_space<vmem>> -> memref<1x64xi32, #tpu.memory_space<vmem>>
    %dma_wait3A_46 = tpu.memref_squeeze %dma_wait3A_45 : memref<1x64xi32, #tpu.memory_space<vmem>> -> memref<64xi32, #tpu.memory_space<vmem>>
    %dma_wait3A_47 = arith.constant 0 : i32
    %dma_wait3A_48 = arith.constant 0 : i32
    %dma_wait3A_49 = tpu.memref_slice %arg2[%dma_wait3A_47, %dma_wait3A_48] : memref<10000x128xf32, #tpu.memory_space<hbm>> -> memref<10000x128xf32, #tpu.memory_space<hbm>>
    tpu.wait_indirect_dma semaphore(%arg18 : memref<!tpu.dma_semaphore, #tpu.memory_space<semaphore_mem>>) src(%dma_wait3A_49 : memref<10000x128xf32, #tpu.memory_space<hbm>>) dst(%arg14 : memref<64x128xf32, #tpu.memory_space<vmem>>)
    %dma_wait3A_50 = arith.constant 161 : i32
    %dma_wait3A_51 = arith.constant 0 : i32
    %dma_wait3A_52 = tpu.memref_slice %arg12[%dma_wait3A_50, %dma_wait3A_51] : memref<162x64xi32, #tpu.memory_space<vmem>> -> memref<1x64xi32, #tpu.memory_space<vmem>>
    %dma_wait3A_53 = tpu.memref_squeeze %dma_wait3A_52 : memref<1x64xi32, #tpu.memory_space<vmem>> -> memref<64xi32, #tpu.memory_space<vmem>>
    %dma_wait3A_54 = arith.constant 0 : i32
    %dma_wait3A_55 = arith.constant 0 : i32
    %dma_wait3A_56 = tpu.memref_slice %arg2[%dma_wait3A_54, %dma_wait3A_55] : memref<10000x128xf32, #tpu.memory_space<hbm>> -> memref<10000x128xf32, #tpu.memory_space<hbm>>
    tpu.wait_indirect_dma semaphore(%arg19 : memref<!tpu.dma_semaphore, #tpu.memory_space<semaphore_mem>>) src(%dma_wait3A_56 : memref<10000x128xf32, #tpu.memory_space<hbm>>) dst(%arg15 : memref<64x128xf32, #tpu.memory_space<vmem>>)
    %dma_wait3A_57 = arith.constant 160 : i32
    %dma_wait3A_58 = arith.constant 0 : i32
    %dma_wait3A_59 = tpu.memref_slice %arg13[%dma_wait3A_57, %dma_wait3A_58] : memref<162x64xi32, #tpu.memory_space<vmem>> -> memref<1x64xi32, #tpu.memory_space<vmem>>
    %dma_wait3A_60 = tpu.memref_squeeze %dma_wait3A_59 : memref<1x64xi32, #tpu.memory_space<vmem>> -> memref<64xi32, #tpu.memory_space<vmem>>
    %dma_wait3A_61 = arith.constant 0 : i32
    %dma_wait3A_62 = arith.constant 0 : i32
    %dma_wait3A_63 = tpu.memref_slice %arg11[%dma_wait3A_61, %dma_wait3A_62] : memref<10240x16xf32, #tpu.memory_space<vmem_shared>> -> memref<10240x16xf32, #tpu.memory_space<vmem_shared>>
    tpu.wait_indirect_dma semaphore(%arg20 : memref<!tpu.dma_semaphore, #tpu.memory_space<semaphore_mem>>) src(%arg16 : memref<64x16xf32, #tpu.memory_space<vmem>>) dst(%dma_wait3A_63 : memref<10240x16xf32, #tpu.memory_space<vmem_shared>>)
    %dma_wait3A_64 = arith.constant 161 : i32
    %dma_wait3A_65 = arith.constant 0 : i32
    %dma_wait3A_66 = tpu.memref_slice %arg13[%dma_wait3A_64, %dma_wait3A_65] : memref<162x64xi32, #tpu.memory_space<vmem>> -> memref<1x64xi32, #tpu.memory_space<vmem>>
    %dma_wait3A_67 = tpu.memref_squeeze %dma_wait3A_66 : memref<1x64xi32, #tpu.memory_space<vmem>> -> memref<64xi32, #tpu.memory_space<vmem>>
    %dma_wait3A_68 = arith.constant 0 : i32
    %dma_wait3A_69 = arith.constant 0 : i32
    %dma_wait3A_70 = tpu.memref_slice %arg11[%dma_wait3A_68, %dma_wait3A_69] : memref<10240x16xf32, #tpu.memory_space<vmem_shared>> -> memref<10240x16xf32, #tpu.memory_space<vmem_shared>>
    tpu.wait_indirect_dma semaphore(%arg20 : memref<!tpu.dma_semaphore, #tpu.memory_space<semaphore_mem>>) src(%arg16 : memref<64x16xf32, #tpu.memory_space<vmem>>) dst(%dma_wait3A_70 : memref<10240x16xf32, #tpu.memory_space<vmem_shared>>)
    %barrier3A_71 = arith.constant 0 : index
    tpu.barrier barrier_id(%barrier3A_71)
    %mul3A_72 = arith.constant 640 : i32
    %mul3A_73 = arith.muli %arg1, %mul3A_72 : i32
    %mul3A_74 = arith.constant 640 : i32
    %mul3A_75 = arith.muli %arg1, %mul3A_74 : i32
    "tpu.region"() ({
      %run_scoped3A_96 = tpu.sem_alloc : memref<!tpu.dma_semaphore, #tpu.memory_space<semaphore_mem>>
      %dma_start3A_97 = arith.constant 0 : i32
      %dma_start3A_98 = tpu.memref_slice %arg8[%arg0, %mul3A_75, %dma_start3A_97] : memref<2x10240x128xf32, #tpu.memory_space<hbm>> -> memref<1x640x128xf32, #tpu.memory_space<hbm>>
      %dma_start3A_99 = tpu.memref_squeeze %dma_start3A_98 : memref<1x640x128xf32, #tpu.memory_space<hbm>> -> memref<640x128xf32, #tpu.memory_space<hbm>>
      %dma_start3A_100 = arith.constant 0 : i32
      %dma_start3A_101 = tpu.memref_slice %arg10[%mul3A_73, %dma_start3A_100] : memref<10240x128xf32, #tpu.memory_space<vmem_shared>> -> memref<640x128xf32, #tpu.memory_space<vmem_shared>>
      tpu.enqueue_dma source(%dma_start3A_101 : memref<640x128xf32, #tpu.memory_space<vmem_shared>>) target(%dma_start3A_99 : memref<640x128xf32, #tpu.memory_space<hbm>>) target_semaphore(%run_scoped3A_96 : memref<!tpu.dma_semaphore, #tpu.memory_space<semaphore_mem>>)
      %dma_wait3A_102 = arith.constant 0 : i32
      %dma_wait3A_103 = tpu.memref_slice %arg8[%arg0, %mul3A_75, %dma_wait3A_102] : memref<2x10240x128xf32, #tpu.memory_space<hbm>> -> memref<1x640x128xf32, #tpu.memory_space<hbm>>
      %dma_wait3A_104 = tpu.memref_squeeze %dma_wait3A_103 : memref<1x640x128xf32, #tpu.memory_space<hbm>> -> memref<640x128xf32, #tpu.memory_space<hbm>>
      %dma_wait3A_105 = arith.constant 0 : i32
      %dma_wait3A_106 = tpu.memref_slice %arg10[%mul3A_73, %dma_wait3A_105] : memref<10240x128xf32, #tpu.memory_space<vmem_shared>> -> memref<640x128xf32, #tpu.memory_space<vmem_shared>>
      tpu.wait_dma2 semaphore(%run_scoped3A_96 : memref<!tpu.dma_semaphore, #tpu.memory_space<semaphore_mem>>) src(%dma_wait3A_106 : memref<640x128xf32, #tpu.memory_space<vmem_shared>>) dst(%dma_wait3A_104 : memref<640x128xf32, #tpu.memory_space<hbm>>)
      tpu.yield
    }) : () -> ()
    %run_scoped3A_76 = arith.constant 0 : i32
    "tpu.region"() ({
      %run_scoped3A_96 = tpu.sem_alloc : memref<!tpu.dma_semaphore, #tpu.memory_space<semaphore_mem>>
      %dma_start3A_97 = arith.constant 0 : i32
      %dma_start3A_98 = tpu.memref_slice %arg17[%run_scoped3A_76, %dma_start3A_97] : memref<10x64xi32, #tpu.memory_space<vmem>> -> memref<1x64xi32, #tpu.memory_space<vmem>>
      %dma_start3A_99 = tpu.memref_squeeze %dma_start3A_98 : memref<1x64xi32, #tpu.memory_space<vmem>> -> memref<64xi32, #tpu.memory_space<vmem>>
      %dma_start3A_100 = arith.constant 0 : i32
      %dma_start3A_101 = arith.constant 0 : i32
      %dma_start3A_102 = tpu.memref_slice %arg11[%dma_start3A_100, %dma_start3A_101] : memref<10240x16xf32, #tpu.memory_space<vmem_shared>> -> memref<10240x16xf32, #tpu.memory_space<vmem_shared>>
      tpu.enqueue_indirect_dma source(%dma_start3A_102 : memref<10240x16xf32, #tpu.memory_space<vmem_shared>>) target(%arg16 : memref<64x16xf32, #tpu.memory_space<vmem>>) offsets(%dma_start3A_99 : memref<64xi32, #tpu.memory_space<vmem>>) semaphore(%run_scoped3A_96 : memref<!tpu.dma_semaphore, #tpu.memory_space<semaphore_mem>>)
      %dma_wait3A_103 = arith.constant 0 : i32
      %dma_wait3A_104 = tpu.memref_slice %arg17[%run_scoped3A_76, %dma_wait3A_103] : memref<10x64xi32, #tpu.memory_space<vmem>> -> memref<1x64xi32, #tpu.memory_space<vmem>>
      %dma_wait3A_105 = tpu.memref_squeeze %dma_wait3A_104 : memref<1x64xi32, #tpu.memory_space<vmem>> -> memref<64xi32, #tpu.memory_space<vmem>>
      %dma_wait3A_106 = arith.constant 0 : i32
      %dma_wait3A_107 = arith.constant 0 : i32
      %dma_wait3A_108 = tpu.memref_slice %arg11[%dma_wait3A_106, %dma_wait3A_107] : memref<10240x16xf32, #tpu.memory_space<vmem_shared>> -> memref<10240x16xf32, #tpu.memory_space<vmem_shared>>
      tpu.wait_indirect_dma semaphore(%run_scoped3A_96 : memref<!tpu.dma_semaphore, #tpu.memory_space<semaphore_mem>>) src(%dma_wait3A_108 : memref<10240x16xf32, #tpu.memory_space<vmem_shared>>) dst(%arg16 : memref<64x16xf32, #tpu.memory_space<vmem>>)
      tpu.yield
    }) : () -> ()
    %run_scoped3A_77 = arith.constant 0 : i32
    "tpu.region"() ({
      %run_scoped3A_96 = tpu.sem_alloc : memref<!tpu.dma_semaphore, #tpu.memory_space<semaphore_mem>>
      %dma_start3A_97 = arith.constant 0 : i32
      %dma_start3A_98 = arith.constant 0 : i32
      %dma_start3A_99 = tpu.memref_slice %arg9[%arg0, %arg1, %run_scoped3A_77, %dma_start3A_97, %dma_start3A_98] : memref<2x16x10x64x16xf32, #tpu.memory_space<hbm>> -> memref<1x1x1x64x16xf32, #tpu.memory_space<hbm>>
      %dma_start3A_100 = tpu.memref_squeeze %dma_start3A_99 : memref<1x1x1x64x16xf32, #tpu.memory_space<hbm>> -> memref<64x16xf32, #tpu.memory_space<hbm>>
      %dma_start3A_101 = arith.constant 0 : i32
      %dma_start3A_102 = arith.constant 0 : i32
      %dma_start3A_103 = tpu.memref_slice %arg9[%arg0, %arg1, %run_scoped3A_77, %dma_start3A_101, %dma_start3A_102] : memref<2x16x10x64x16xf32, #tpu.memory_space<hbm>> -> memref<1x1x1x64x16xf32, #tpu.memory_space<hbm>>
      %dma_start3A_104 = tpu.memref_squeeze %dma_start3A_103 : memref<1x1x1x64x16xf32, #tpu.memory_space<hbm>> -> memref<64x16xf32, #tpu.memory_space<hbm>>
      tpu.enqueue_dma source(%arg16 : memref<64x16xf32, #tpu.memory_space<vmem>>) target(%dma_start3A_104 : memref<64x16xf32, #tpu.memory_space<hbm>>) target_semaphore(%run_scoped3A_96 : memref<!tpu.dma_semaphore, #tpu.memory_space<semaphore_mem>>)
      %dma_wait3A_105 = arith.constant 0 : i32
      %dma_wait3A_106 = arith.constant 0 : i32
      %dma_wait3A_107 = tpu.memref_slice %arg9[%arg0, %arg1, %run_scoped3A_77, %dma_wait3A_105, %dma_wait3A_106] : memref<2x16x10x64x16xf32, #tpu.memory_space<hbm>> -> memref<1x1x1x64x16xf32, #tpu.memory_space<hbm>>
      %dma_wait3A_108 = tpu.memref_squeeze %dma_wait3A_107 : memref<1x1x1x64x16xf32, #tpu.memory_space<hbm>> -> memref<64x16xf32, #tpu.memory_space<hbm>>
      %dma_wait3A_109 = arith.constant 0 : i32
      %dma_wait3A_110 = arith.constant 0 : i32
      %dma_wait3A_111 = tpu.memref_slice %arg9[%arg0, %arg1, %run_scoped3A_77, %dma_wait3A_109, %dma_wait3A_110] : memref<2x16x10x64x16xf32, #tpu.memory_space<hbm>> -> memref<1x1x1x64x16xf32, #tpu.memory_space<hbm>>
      %dma_wait3A_112 = tpu.memref_squeeze %dma_wait3A_111 : memref<1x1x1x64x16xf32, #tpu.memory_space<hbm>> -> memref<64x16xf32, #tpu.memory_space<hbm>>
      tpu.wait_dma2 semaphore(%run_scoped3A_96 : memref<!tpu.dma_semaphore, #tpu.memory_space<semaphore_mem>>) src(%arg16 : memref<64x16xf32, #tpu.memory_space<vmem>>) dst(%dma_wait3A_112 : memref<64x16xf32, #tpu.memory_space<hbm>>)
      tpu.yield
    }) : () -> ()
    %run_scoped3A_78 = arith.constant 1 : i32
    "tpu.region"() ({
      %run_scoped3A_96 = tpu.sem_alloc : memref<!tpu.dma_semaphore, #tpu.memory_space<semaphore_mem>>
      %dma_start3A_97 = arith.constant 0 : i32
      %dma_start3A_98 = tpu.memref_slice %arg17[%run_scoped3A_78, %dma_start3A_97] : memref<10x64xi32, #tpu.memory_space<vmem>> -> memref<1x64xi32, #tpu.memory_space<vmem>>
      %dma_start3A_99 = tpu.memref_squeeze %dma_start3A_98 : memref<1x64xi32, #tpu.memory_space<vmem>> -> memref<64xi32, #tpu.memory_space<vmem>>
      %dma_start3A_100 = arith.constant 0 : i32
      %dma_start3A_101 = arith.constant 0 : i32
      %dma_start3A_102 = tpu.memref_slice %arg11[%dma_start3A_100, %dma_start3A_101] : memref<10240x16xf32, #tpu.memory_space<vmem_shared>> -> memref<10240x16xf32, #tpu.memory_space<vmem_shared>>
      tpu.enqueue_indirect_dma source(%dma_start3A_102 : memref<10240x16xf32, #tpu.memory_space<vmem_shared>>) target(%arg16 : memref<64x16xf32, #tpu.memory_space<vmem>>) offsets(%dma_start3A_99 : memref<64xi32, #tpu.memory_space<vmem>>) semaphore(%run_scoped3A_96 : memref<!tpu.dma_semaphore, #tpu.memory_space<semaphore_mem>>)
      %dma_wait3A_103 = arith.constant 0 : i32
      %dma_wait3A_104 = tpu.memref_slice %arg17[%run_scoped3A_78, %dma_wait3A_103] : memref<10x64xi32, #tpu.memory_space<vmem>> -> memref<1x64xi32, #tpu.memory_space<vmem>>
      %dma_wait3A_105 = tpu.memref_squeeze %dma_wait3A_104 : memref<1x64xi32, #tpu.memory_space<vmem>> -> memref<64xi32, #tpu.memory_space<vmem>>
      %dma_wait3A_106 = arith.constant 0 : i32
      %dma_wait3A_107 = arith.constant 0 : i32
      %dma_wait3A_108 = tpu.memref_slice %arg11[%dma_wait3A_106, %dma_wait3A_107] : memref<10240x16xf32, #tpu.memory_space<vmem_shared>> -> memref<10240x16xf32, #tpu.memory_space<vmem_shared>>
      tpu.wait_indirect_dma semaphore(%run_scoped3A_96 : memref<!tpu.dma_semaphore, #tpu.memory_space<semaphore_mem>>) src(%dma_wait3A_108 : memref<10240x16xf32, #tpu.memory_space<vmem_shared>>) dst(%arg16 : memref<64x16xf32, #tpu.memory_space<vmem>>)
      tpu.yield
    }) : () -> ()
    %run_scoped3A_79 = arith.constant 1 : i32
    "tpu.region"() ({
      %run_scoped3A_96 = tpu.sem_alloc : memref<!tpu.dma_semaphore, #tpu.memory_space<semaphore_mem>>
      %dma_start3A_97 = arith.constant 0 : i32
      %dma_start3A_98 = arith.constant 0 : i32
      %dma_start3A_99 = tpu.memref_slice %arg9[%arg0, %arg1, %run_scoped3A_79, %dma_start3A_97, %dma_start3A_98] : memref<2x16x10x64x16xf32, #tpu.memory_space<hbm>> -> memref<1x1x1x64x16xf32, #tpu.memory_space<hbm>>
      %dma_start3A_100 = tpu.memref_squeeze %dma_start3A_99 : memref<1x1x1x64x16xf32, #tpu.memory_space<hbm>> -> memref<64x16xf32, #tpu.memory_space<hbm>>
      %dma_start3A_101 = arith.constant 0 : i32
      %dma_start3A_102 = arith.constant 0 : i32
      %dma_start3A_103 = tpu.memref_slice %arg9[%arg0, %arg1, %run_scoped3A_79, %dma_start3A_101, %dma_start3A_102] : memref<2x16x10x64x16xf32, #tpu.memory_space<hbm>> -> memref<1x1x1x64x16xf32, #tpu.memory_space<hbm>>
      %dma_start3A_104 = tpu.memref_squeeze %dma_start3A_103 : memref<1x1x1x64x16xf32, #tpu.memory_space<hbm>> -> memref<64x16xf32, #tpu.memory_space<hbm>>
      tpu.enqueue_dma source(%arg16 : memref<64x16xf32, #tpu.memory_space<vmem>>) target(%dma_start3A_104 : memref<64x16xf32, #tpu.memory_space<hbm>>) target_semaphore(%run_scoped3A_96 : memref<!tpu.dma_semaphore, #tpu.memory_space<semaphore_mem>>)
      %dma_wait3A_105 = arith.constant 0 : i32
      %dma_wait3A_106 = arith.constant 0 : i32
      %dma_wait3A_107 = tpu.memref_slice %arg9[%arg0, %arg1, %run_scoped3A_79, %dma_wait3A_105, %dma_wait3A_106] : memref<2x16x10x64x16xf32, #tpu.memory_space<hbm>> -> memref<1x1x1x64x16xf32, #tpu.memory_space<hbm>>
      %dma_wait3A_108 = tpu.memref_squeeze %dma_wait3A_107 : memref<1x1x1x64x16xf32, #tpu.memory_space<hbm>> -> memref<64x16xf32, #tpu.memory_space<hbm>>
      %dma_wait3A_109 = arith.constant 0 : i32
      %dma_wait3A_110 = arith.constant 0 : i32
      %dma_wait3A_111 = tpu.memref_slice %arg9[%arg0, %arg1, %run_scoped3A_79, %dma_wait3A_109, %dma_wait3A_110] : memref<2x16x10x64x16xf32, #tpu.memory_space<hbm>> -> memref<1x1x1x64x16xf32, #tpu.memory_space<hbm>>
      %dma_wait3A_112 = tpu.memref_squeeze %dma_wait3A_111 : memref<1x1x1x64x16xf32, #tpu.memory_space<hbm>> -> memref<64x16xf32, #tpu.memory_space<hbm>>
      tpu.wait_dma2 semaphore(%run_scoped3A_96 : memref<!tpu.dma_semaphore, #tpu.memory_space<semaphore_mem>>) src(%arg16 : memref<64x16xf32, #tpu.memory_space<vmem>>) dst(%dma_wait3A_112 : memref<64x16xf32, #tpu.memory_space<hbm>>)
      tpu.yield
    }) : () -> ()
    %run_scoped3A_80 = arith.constant 2 : i32
    "tpu.region"() ({
      %run_scoped3A_96 = tpu.sem_alloc : memref<!tpu.dma_semaphore, #tpu.memory_space<semaphore_mem>>
      %dma_start3A_97 = arith.constant 0 : i32
      %dma_start3A_98 = tpu.memref_slice %arg17[%run_scoped3A_80, %dma_start3A_97] : memref<10x64xi32, #tpu.memory_space<vmem>> -> memref<1x64xi32, #tpu.memory_space<vmem>>
      %dma_start3A_99 = tpu.memref_squeeze %dma_start3A_98 : memref<1x64xi32, #tpu.memory_space<vmem>> -> memref<64xi32, #tpu.memory_space<vmem>>
      %dma_start3A_100 = arith.constant 0 : i32
      %dma_start3A_101 = arith.constant 0 : i32
      %dma_start3A_102 = tpu.memref_slice %arg11[%dma_start3A_100, %dma_start3A_101] : memref<10240x16xf32, #tpu.memory_space<vmem_shared>> -> memref<10240x16xf32, #tpu.memory_space<vmem_shared>>
      tpu.enqueue_indirect_dma source(%dma_start3A_102 : memref<10240x16xf32, #tpu.memory_space<vmem_shared>>) target(%arg16 : memref<64x16xf32, #tpu.memory_space<vmem>>) offsets(%dma_start3A_99 : memref<64xi32, #tpu.memory_space<vmem>>) semaphore(%run_scoped3A_96 : memref<!tpu.dma_semaphore, #tpu.memory_space<semaphore_mem>>)
      %dma_wait3A_103 = arith.constant 0 : i32
      %dma_wait3A_104 = tpu.memref_slice %arg17[%run_scoped3A_80, %dma_wait3A_103] : memref<10x64xi32, #tpu.memory_space<vmem>> -> memref<1x64xi32, #tpu.memory_space<vmem>>
      %dma_wait3A_105 = tpu.memref_squeeze %dma_wait3A_104 : memref<1x64xi32, #tpu.memory_space<vmem>> -> memref<64xi32, #tpu.memory_space<vmem>>
      %dma_wait3A_106 = arith.constant 0 : i32
      %dma_wait3A_107 = arith.constant 0 : i32
      %dma_wait3A_108 = tpu.memref_slice %arg11[%dma_wait3A_106, %dma_wait3A_107] : memref<10240x16xf32, #tpu.memory_space<vmem_shared>> -> memref<10240x16xf32, #tpu.memory_space<vmem_shared>>
      tpu.wait_indirect_dma semaphore(%run_scoped3A_96 : memref<!tpu.dma_semaphore, #tpu.memory_space<semaphore_mem>>) src(%dma_wait3A_108 : memref<10240x16xf32, #tpu.memory_space<vmem_shared>>) dst(%arg16 : memref<64x16xf32, #tpu.memory_space<vmem>>)
      tpu.yield
    }) : () -> ()
    %run_scoped3A_81 = arith.constant 2 : i32
    "tpu.region"() ({
      %run_scoped3A_96 = tpu.sem_alloc : memref<!tpu.dma_semaphore, #tpu.memory_space<semaphore_mem>>
      %dma_start3A_97 = arith.constant 0 : i32
      %dma_start3A_98 = arith.constant 0 : i32
      %dma_start3A_99 = tpu.memref_slice %arg9[%arg0, %arg1, %run_scoped3A_81, %dma_start3A_97, %dma_start3A_98] : memref<2x16x10x64x16xf32, #tpu.memory_space<hbm>> -> memref<1x1x1x64x16xf32, #tpu.memory_space<hbm>>
      %dma_start3A_100 = tpu.memref_squeeze %dma_start3A_99 : memref<1x1x1x64x16xf32, #tpu.memory_space<hbm>> -> memref<64x16xf32, #tpu.memory_space<hbm>>
      %dma_start3A_101 = arith.constant 0 : i32
      %dma_start3A_102 = arith.constant 0 : i32
      %dma_start3A_103 = tpu.memref_slice %arg9[%arg0, %arg1, %run_scoped3A_81, %dma_start3A_101, %dma_start3A_102] : memref<2x16x10x64x16xf32, #tpu.memory_space<hbm>> -> memref<1x1x1x64x16xf32, #tpu.memory_space<hbm>>
      %dma_start3A_104 = tpu.memref_squeeze %dma_start3A_103 : memref<1x1x1x64x16xf32, #tpu.memory_space<hbm>> -> memref<64x16xf32, #tpu.memory_space<hbm>>
      tpu.enqueue_dma source(%arg16 : memref<64x16xf32, #tpu.memory_space<vmem>>) target(%dma_start3A_104 : memref<64x16xf32, #tpu.memory_space<hbm>>) target_semaphore(%run_scoped3A_96 : memref<!tpu.dma_semaphore, #tpu.memory_space<semaphore_mem>>)
      %dma_wait3A_105 = arith.constant 0 : i32
      %dma_wait3A_106 = arith.constant 0 : i32
      %dma_wait3A_107 = tpu.memref_slice %arg9[%arg0, %arg1, %run_scoped3A_81, %dma_wait3A_105, %dma_wait3A_106] : memref<2x16x10x64x16xf32, #tpu.memory_space<hbm>> -> memref<1x1x1x64x16xf32, #tpu.memory_space<hbm>>
      %dma_wait3A_108 = tpu.memref_squeeze %dma_wait3A_107 : memref<1x1x1x64x16xf32, #tpu.memory_space<hbm>> -> memref<64x16xf32, #tpu.memory_space<hbm>>
      %dma_wait3A_109 = arith.constant 0 : i32
      %dma_wait3A_110 = arith.constant 0 : i32
      %dma_wait3A_111 = tpu.memref_slice %arg9[%arg0, %arg1, %run_scoped3A_81, %dma_wait3A_109, %dma_wait3A_110] : memref<2x16x10x64x16xf32, #tpu.memory_space<hbm>> -> memref<1x1x1x64x16xf32, #tpu.memory_space<hbm>>
      %dma_wait3A_112 = tpu.memref_squeeze %dma_wait3A_111 : memref<1x1x1x64x16xf32, #tpu.memory_space<hbm>> -> memref<64x16xf32, #tpu.memory_space<hbm>>
      tpu.wait_dma2 semaphore(%run_scoped3A_96 : memref<!tpu.dma_semaphore, #tpu.memory_space<semaphore_mem>>) src(%arg16 : memref<64x16xf32, #tpu.memory_space<vmem>>) dst(%dma_wait3A_112 : memref<64x16xf32, #tpu.memory_space<hbm>>)
      tpu.yield
    }) : () -> ()
    %run_scoped3A_82 = arith.constant 3 : i32
    "tpu.region"() ({
      %run_scoped3A_96 = tpu.sem_alloc : memref<!tpu.dma_semaphore, #tpu.memory_space<semaphore_mem>>
      %dma_start3A_97 = arith.constant 0 : i32
      %dma_start3A_98 = tpu.memref_slice %arg17[%run_scoped3A_82, %dma_start3A_97] : memref<10x64xi32, #tpu.memory_space<vmem>> -> memref<1x64xi32, #tpu.memory_space<vmem>>
      %dma_start3A_99 = tpu.memref_squeeze %dma_start3A_98 : memref<1x64xi32, #tpu.memory_space<vmem>> -> memref<64xi32, #tpu.memory_space<vmem>>
      %dma_start3A_100 = arith.constant 0 : i32
      %dma_start3A_101 = arith.constant 0 : i32
      %dma_start3A_102 = tpu.memref_slice %arg11[%dma_start3A_100, %dma_start3A_101] : memref<10240x16xf32, #tpu.memory_space<vmem_shared>> -> memref<10240x16xf32, #tpu.memory_space<vmem_shared>>
      tpu.enqueue_indirect_dma source(%dma_start3A_102 : memref<10240x16xf32, #tpu.memory_space<vmem_shared>>) target(%arg16 : memref<64x16xf32, #tpu.memory_space<vmem>>) offsets(%dma_start3A_99 : memref<64xi32, #tpu.memory_space<vmem>>) semaphore(%run_scoped3A_96 : memref<!tpu.dma_semaphore, #tpu.memory_space<semaphore_mem>>)
      %dma_wait3A_103 = arith.constant 0 : i32
      %dma_wait3A_104 = tpu.memref_slice %arg17[%run_scoped3A_82, %dma_wait3A_103] : memref<10x64xi32, #tpu.memory_space<vmem>> -> memref<1x64xi32, #tpu.memory_space<vmem>>
      %dma_wait3A_105 = tpu.memref_squeeze %dma_wait3A_104 : memref<1x64xi32, #tpu.memory_space<vmem>> -> memref<64xi32, #tpu.memory_space<vmem>>
      %dma_wait3A_106 = arith.constant 0 : i32
      %dma_wait3A_107 = arith.constant 0 : i32
      %dma_wait3A_108 = tpu.memref_slice %arg11[%dma_wait3A_106, %dma_wait3A_107] : memref<10240x16xf32, #tpu.memory_space<vmem_shared>> -> memref<10240x16xf32, #tpu.memory_space<vmem_shared>>
      tpu.wait_indirect_dma semaphore(%run_scoped3A_96 : memref<!tpu.dma_semaphore, #tpu.memory_space<semaphore_mem>>) src(%dma_wait3A_108 : memref<10240x16xf32, #tpu.memory_space<vmem_shared>>) dst(%arg16 : memref<64x16xf32, #tpu.memory_space<vmem>>)
      tpu.yield
    }) : () -> ()
    %run_scoped3A_83 = arith.constant 3 : i32
    "tpu.region"() ({
      %run_scoped3A_96 = tpu.sem_alloc : memref<!tpu.dma_semaphore, #tpu.memory_space<semaphore_mem>>
      %dma_start3A_97 = arith.constant 0 : i32
      %dma_start3A_98 = arith.constant 0 : i32
      %dma_start3A_99 = tpu.memref_slice %arg9[%arg0, %arg1, %run_scoped3A_83, %dma_start3A_97, %dma_start3A_98] : memref<2x16x10x64x16xf32, #tpu.memory_space<hbm>> -> memref<1x1x1x64x16xf32, #tpu.memory_space<hbm>>
      %dma_start3A_100 = tpu.memref_squeeze %dma_start3A_99 : memref<1x1x1x64x16xf32, #tpu.memory_space<hbm>> -> memref<64x16xf32, #tpu.memory_space<hbm>>
      %dma_start3A_101 = arith.constant 0 : i32
      %dma_start3A_102 = arith.constant 0 : i32
      %dma_start3A_103 = tpu.memref_slice %arg9[%arg0, %arg1, %run_scoped3A_83, %dma_start3A_101, %dma_start3A_102] : memref<2x16x10x64x16xf32, #tpu.memory_space<hbm>> -> memref<1x1x1x64x16xf32, #tpu.memory_space<hbm>>
      %dma_start3A_104 = tpu.memref_squeeze %dma_start3A_103 : memref<1x1x1x64x16xf32, #tpu.memory_space<hbm>> -> memref<64x16xf32, #tpu.memory_space<hbm>>
      tpu.enqueue_dma source(%arg16 : memref<64x16xf32, #tpu.memory_space<vmem>>) target(%dma_start3A_104 : memref<64x16xf32, #tpu.memory_space<hbm>>) target_semaphore(%run_scoped3A_96 : memref<!tpu.dma_semaphore, #tpu.memory_space<semaphore_mem>>)
      %dma_wait3A_105 = arith.constant 0 : i32
      %dma_wait3A_106 = arith.constant 0 : i32
      %dma_wait3A_107 = tpu.memref_slice %arg9[%arg0, %arg1, %run_scoped3A_83, %dma_wait3A_105, %dma_wait3A_106] : memref<2x16x10x64x16xf32, #tpu.memory_space<hbm>> -> memref<1x1x1x64x16xf32, #tpu.memory_space<hbm>>
      %dma_wait3A_108 = tpu.memref_squeeze %dma_wait3A_107 : memref<1x1x1x64x16xf32, #tpu.memory_space<hbm>> -> memref<64x16xf32, #tpu.memory_space<hbm>>
      %dma_wait3A_109 = arith.constant 0 : i32
      %dma_wait3A_110 = arith.constant 0 : i32
      %dma_wait3A_111 = tpu.memref_slice %arg9[%arg0, %arg1, %run_scoped3A_83, %dma_wait3A_109, %dma_wait3A_110] : memref<2x16x10x64x16xf32, #tpu.memory_space<hbm>> -> memref<1x1x1x64x16xf32, #tpu.memory_space<hbm>>
      %dma_wait3A_112 = tpu.memref_squeeze %dma_wait3A_111 : memref<1x1x1x64x16xf32, #tpu.memory_space<hbm>> -> memref<64x16xf32, #tpu.memory_space<hbm>>
      tpu.wait_dma2 semaphore(%run_scoped3A_96 : memref<!tpu.dma_semaphore, #tpu.memory_space<semaphore_mem>>) src(%arg16 : memref<64x16xf32, #tpu.memory_space<vmem>>) dst(%dma_wait3A_112 : memref<64x16xf32, #tpu.memory_space<hbm>>)
      tpu.yield
    }) : () -> ()
    %run_scoped3A_84 = arith.constant 4 : i32
    "tpu.region"() ({
      %run_scoped3A_96 = tpu.sem_alloc : memref<!tpu.dma_semaphore, #tpu.memory_space<semaphore_mem>>
      %dma_start3A_97 = arith.constant 0 : i32
      %dma_start3A_98 = tpu.memref_slice %arg17[%run_scoped3A_84, %dma_start3A_97] : memref<10x64xi32, #tpu.memory_space<vmem>> -> memref<1x64xi32, #tpu.memory_space<vmem>>
      %dma_start3A_99 = tpu.memref_squeeze %dma_start3A_98 : memref<1x64xi32, #tpu.memory_space<vmem>> -> memref<64xi32, #tpu.memory_space<vmem>>
      %dma_start3A_100 = arith.constant 0 : i32
      %dma_start3A_101 = arith.constant 0 : i32
      %dma_start3A_102 = tpu.memref_slice %arg11[%dma_start3A_100, %dma_start3A_101] : memref<10240x16xf32, #tpu.memory_space<vmem_shared>> -> memref<10240x16xf32, #tpu.memory_space<vmem_shared>>
      tpu.enqueue_indirect_dma source(%dma_start3A_102 : memref<10240x16xf32, #tpu.memory_space<vmem_shared>>) target(%arg16 : memref<64x16xf32, #tpu.memory_space<vmem>>) offsets(%dma_start3A_99 : memref<64xi32, #tpu.memory_space<vmem>>) semaphore(%run_scoped3A_96 : memref<!tpu.dma_semaphore, #tpu.memory_space<semaphore_mem>>)
      %dma_wait3A_103 = arith.constant 0 : i32
      %dma_wait3A_104 = tpu.memref_slice %arg17[%run_scoped3A_84, %dma_wait3A_103] : memref<10x64xi32, #tpu.memory_space<vmem>> -> memref<1x64xi32, #tpu.memory_space<vmem>>
      %dma_wait3A_105 = tpu.memref_squeeze %dma_wait3A_104 : memref<1x64xi32, #tpu.memory_space<vmem>> -> memref<64xi32, #tpu.memory_space<vmem>>
      %dma_wait3A_106 = arith.constant 0 : i32
      %dma_wait3A_107 = arith.constant 0 : i32
      %dma_wait3A_108 = tpu.memref_slice %arg11[%dma_wait3A_106, %dma_wait3A_107] : memref<10240x16xf32, #tpu.memory_space<vmem_shared>> -> memref<10240x16xf32, #tpu.memory_space<vmem_shared>>
      tpu.wait_indirect_dma semaphore(%run_scoped3A_96 : memref<!tpu.dma_semaphore, #tpu.memory_space<semaphore_mem>>) src(%dma_wait3A_108 : memref<10240x16xf32, #tpu.memory_space<vmem_shared>>) dst(%arg16 : memref<64x16xf32, #tpu.memory_space<vmem>>)
      tpu.yield
    }) : () -> ()
    %run_scoped3A_85 = arith.constant 4 : i32
    "tpu.region"() ({
      %run_scoped3A_96 = tpu.sem_alloc : memref<!tpu.dma_semaphore, #tpu.memory_space<semaphore_mem>>
      %dma_start3A_97 = arith.constant 0 : i32
      %dma_start3A_98 = arith.constant 0 : i32
      %dma_start3A_99 = tpu.memref_slice %arg9[%arg0, %arg1, %run_scoped3A_85, %dma_start3A_97, %dma_start3A_98] : memref<2x16x10x64x16xf32, #tpu.memory_space<hbm>> -> memref<1x1x1x64x16xf32, #tpu.memory_space<hbm>>
      %dma_start3A_100 = tpu.memref_squeeze %dma_start3A_99 : memref<1x1x1x64x16xf32, #tpu.memory_space<hbm>> -> memref<64x16xf32, #tpu.memory_space<hbm>>
      %dma_start3A_101 = arith.constant 0 : i32
      %dma_start3A_102 = arith.constant 0 : i32
      %dma_start3A_103 = tpu.memref_slice %arg9[%arg0, %arg1, %run_scoped3A_85, %dma_start3A_101, %dma_start3A_102] : memref<2x16x10x64x16xf32, #tpu.memory_space<hbm>> -> memref<1x1x1x64x16xf32, #tpu.memory_space<hbm>>
      %dma_start3A_104 = tpu.memref_squeeze %dma_start3A_103 : memref<1x1x1x64x16xf32, #tpu.memory_space<hbm>> -> memref<64x16xf32, #tpu.memory_space<hbm>>
      tpu.enqueue_dma source(%arg16 : memref<64x16xf32, #tpu.memory_space<vmem>>) target(%dma_start3A_104 : memref<64x16xf32, #tpu.memory_space<hbm>>) target_semaphore(%run_scoped3A_96 : memref<!tpu.dma_semaphore, #tpu.memory_space<semaphore_mem>>)
      %dma_wait3A_105 = arith.constant 0 : i32
      %dma_wait3A_106 = arith.constant 0 : i32
      %dma_wait3A_107 = tpu.memref_slice %arg9[%arg0, %arg1, %run_scoped3A_85, %dma_wait3A_105, %dma_wait3A_106] : memref<2x16x10x64x16xf32, #tpu.memory_space<hbm>> -> memref<1x1x1x64x16xf32, #tpu.memory_space<hbm>>
      %dma_wait3A_108 = tpu.memref_squeeze %dma_wait3A_107 : memref<1x1x1x64x16xf32, #tpu.memory_space<hbm>> -> memref<64x16xf32, #tpu.memory_space<hbm>>
      %dma_wait3A_109 = arith.constant 0 : i32
      %dma_wait3A_110 = arith.constant 0 : i32
      %dma_wait3A_111 = tpu.memref_slice %arg9[%arg0, %arg1, %run_scoped3A_85, %dma_wait3A_109, %dma_wait3A_110] : memref<2x16x10x64x16xf32, #tpu.memory_space<hbm>> -> memref<1x1x1x64x16xf32, #tpu.memory_space<hbm>>
      %dma_wait3A_112 = tpu.memref_squeeze %dma_wait3A_111 : memref<1x1x1x64x16xf32, #tpu.memory_space<hbm>> -> memref<64x16xf32, #tpu.memory_space<hbm>>
      tpu.wait_dma2 semaphore(%run_scoped3A_96 : memref<!tpu.dma_semaphore, #tpu.memory_space<semaphore_mem>>) src(%arg16 : memref<64x16xf32, #tpu.memory_space<vmem>>) dst(%dma_wait3A_112 : memref<64x16xf32, #tpu.memory_space<hbm>>)
      tpu.yield
    }) : () -> ()
    %run_scoped3A_86 = arith.constant 5 : i32
    "tpu.region"() ({
      %run_scoped3A_96 = tpu.sem_alloc : memref<!tpu.dma_semaphore, #tpu.memory_space<semaphore_mem>>
      %dma_start3A_97 = arith.constant 0 : i32
      %dma_start3A_98 = tpu.memref_slice %arg17[%run_scoped3A_86, %dma_start3A_97] : memref<10x64xi32, #tpu.memory_space<vmem>> -> memref<1x64xi32, #tpu.memory_space<vmem>>
      %dma_start3A_99 = tpu.memref_squeeze %dma_start3A_98 : memref<1x64xi32, #tpu.memory_space<vmem>> -> memref<64xi32, #tpu.memory_space<vmem>>
      %dma_start3A_100 = arith.constant 0 : i32
      %dma_start3A_101 = arith.constant 0 : i32
      %dma_start3A_102 = tpu.memref_slice %arg11[%dma_start3A_100, %dma_start3A_101] : memref<10240x16xf32, #tpu.memory_space<vmem_shared>> -> memref<10240x16xf32, #tpu.memory_space<vmem_shared>>
      tpu.enqueue_indirect_dma source(%dma_start3A_102 : memref<10240x16xf32, #tpu.memory_space<vmem_shared>>) target(%arg16 : memref<64x16xf32, #tpu.memory_space<vmem>>) offsets(%dma_start3A_99 : memref<64xi32, #tpu.memory_space<vmem>>) semaphore(%run_scoped3A_96 : memref<!tpu.dma_semaphore, #tpu.memory_space<semaphore_mem>>)
      %dma_wait3A_103 = arith.constant 0 : i32
      %dma_wait3A_104 = tpu.memref_slice %arg17[%run_scoped3A_86, %dma_wait3A_103] : memref<10x64xi32, #tpu.memory_space<vmem>> -> memref<1x64xi32, #tpu.memory_space<vmem>>
      %dma_wait3A_105 = tpu.memref_squeeze %dma_wait3A_104 : memref<1x64xi32, #tpu.memory_space<vmem>> -> memref<64xi32, #tpu.memory_space<vmem>>
      %dma_wait3A_106 = arith.constant 0 : i32
      %dma_wait3A_107 = arith.constant 0 : i32
      %dma_wait3A_108 = tpu.memref_slice %arg11[%dma_wait3A_106, %dma_wait3A_107] : memref<10240x16xf32, #tpu.memory_space<vmem_shared>> -> memref<10240x16xf32, #tpu.memory_space<vmem_shared>>
      tpu.wait_indirect_dma semaphore(%run_scoped3A_96 : memref<!tpu.dma_semaphore, #tpu.memory_space<semaphore_mem>>) src(%dma_wait3A_108 : memref<10240x16xf32, #tpu.memory_space<vmem_shared>>) dst(%arg16 : memref<64x16xf32, #tpu.memory_space<vmem>>)
      tpu.yield
    }) : () -> ()
    %run_scoped3A_87 = arith.constant 5 : i32
    "tpu.region"() ({
      %run_scoped3A_96 = tpu.sem_alloc : memref<!tpu.dma_semaphore, #tpu.memory_space<semaphore_mem>>
      %dma_start3A_97 = arith.constant 0 : i32
      %dma_start3A_98 = arith.constant 0 : i32
      %dma_start3A_99 = tpu.memref_slice %arg9[%arg0, %arg1, %run_scoped3A_87, %dma_start3A_97, %dma_start3A_98] : memref<2x16x10x64x16xf32, #tpu.memory_space<hbm>> -> memref<1x1x1x64x16xf32, #tpu.memory_space<hbm>>
      %dma_start3A_100 = tpu.memref_squeeze %dma_start3A_99 : memref<1x1x1x64x16xf32, #tpu.memory_space<hbm>> -> memref<64x16xf32, #tpu.memory_space<hbm>>
      %dma_start3A_101 = arith.constant 0 : i32
      %dma_start3A_102 = arith.constant 0 : i32
      %dma_start3A_103 = tpu.memref_slice %arg9[%arg0, %arg1, %run_scoped3A_87, %dma_start3A_101, %dma_start3A_102] : memref<2x16x10x64x16xf32, #tpu.memory_space<hbm>> -> memref<1x1x1x64x16xf32, #tpu.memory_space<hbm>>
      %dma_start3A_104 = tpu.memref_squeeze %dma_start3A_103 : memref<1x1x1x64x16xf32, #tpu.memory_space<hbm>> -> memref<64x16xf32, #tpu.memory_space<hbm>>
      tpu.enqueue_dma source(%arg16 : memref<64x16xf32, #tpu.memory_space<vmem>>) target(%dma_start3A_104 : memref<64x16xf32, #tpu.memory_space<hbm>>) target_semaphore(%run_scoped3A_96 : memref<!tpu.dma_semaphore, #tpu.memory_space<semaphore_mem>>)
      %dma_wait3A_105 = arith.constant 0 : i32
      %dma_wait3A_106 = arith.constant 0 : i32
      %dma_wait3A_107 = tpu.memref_slice %arg9[%arg0, %arg1, %run_scoped3A_87, %dma_wait3A_105, %dma_wait3A_106] : memref<2x16x10x64x16xf32, #tpu.memory_space<hbm>> -> memref<1x1x1x64x16xf32, #tpu.memory_space<hbm>>
      %dma_wait3A_108 = tpu.memref_squeeze %dma_wait3A_107 : memref<1x1x1x64x16xf32, #tpu.memory_space<hbm>> -> memref<64x16xf32, #tpu.memory_space<hbm>>
      %dma_wait3A_109 = arith.constant 0 : i32
      %dma_wait3A_110 = arith.constant 0 : i32
      %dma_wait3A_111 = tpu.memref_slice %arg9[%arg0, %arg1, %run_scoped3A_87, %dma_wait3A_109, %dma_wait3A_110] : memref<2x16x10x64x16xf32, #tpu.memory_space<hbm>> -> memref<1x1x1x64x16xf32, #tpu.memory_space<hbm>>
      %dma_wait3A_112 = tpu.memref_squeeze %dma_wait3A_111 : memref<1x1x1x64x16xf32, #tpu.memory_space<hbm>> -> memref<64x16xf32, #tpu.memory_space<hbm>>
      tpu.wait_dma2 semaphore(%run_scoped3A_96 : memref<!tpu.dma_semaphore, #tpu.memory_space<semaphore_mem>>) src(%arg16 : memref<64x16xf32, #tpu.memory_space<vmem>>) dst(%dma_wait3A_112 : memref<64x16xf32, #tpu.memory_space<hbm>>)
      tpu.yield
    }) : () -> ()
    %run_scoped3A_88 = arith.constant 6 : i32
    "tpu.region"() ({
      %run_scoped3A_96 = tpu.sem_alloc : memref<!tpu.dma_semaphore, #tpu.memory_space<semaphore_mem>>
      %dma_start3A_97 = arith.constant 0 : i32
      %dma_start3A_98 = tpu.memref_slice %arg17[%run_scoped3A_88, %dma_start3A_97] : memref<10x64xi32, #tpu.memory_space<vmem>> -> memref<1x64xi32, #tpu.memory_space<vmem>>
      %dma_start3A_99 = tpu.memref_squeeze %dma_start3A_98 : memref<1x64xi32, #tpu.memory_space<vmem>> -> memref<64xi32, #tpu.memory_space<vmem>>
      %dma_start3A_100 = arith.constant 0 : i32
      %dma_start3A_101 = arith.constant 0 : i32
      %dma_start3A_102 = tpu.memref_slice %arg11[%dma_start3A_100, %dma_start3A_101] : memref<10240x16xf32, #tpu.memory_space<vmem_shared>> -> memref<10240x16xf32, #tpu.memory_space<vmem_shared>>
      tpu.enqueue_indirect_dma source(%dma_start3A_102 : memref<10240x16xf32, #tpu.memory_space<vmem_shared>>) target(%arg16 : memref<64x16xf32, #tpu.memory_space<vmem>>) offsets(%dma_start3A_99 : memref<64xi32, #tpu.memory_space<vmem>>) semaphore(%run_scoped3A_96 : memref<!tpu.dma_semaphore, #tpu.memory_space<semaphore_mem>>)
      %dma_wait3A_103 = arith.constant 0 : i32
      %dma_wait3A_104 = tpu.memref_slice %arg17[%run_scoped3A_88, %dma_wait3A_103] : memref<10x64xi32, #tpu.memory_space<vmem>> -> memref<1x64xi32, #tpu.memory_space<vmem>>
      %dma_wait3A_105 = tpu.memref_squeeze %dma_wait3A_104 : memref<1x64xi32, #tpu.memory_space<vmem>> -> memref<64xi32, #tpu.memory_space<vmem>>
      %dma_wait3A_106 = arith.constant 0 : i32
      %dma_wait3A_107 = arith.constant 0 : i32
      %dma_wait3A_108 = tpu.memref_slice %arg11[%dma_wait3A_106, %dma_wait3A_107] : memref<10240x16xf32, #tpu.memory_space<vmem_shared>> -> memref<10240x16xf32, #tpu.memory_space<vmem_shared>>
      tpu.wait_indirect_dma semaphore(%run_scoped3A_96 : memref<!tpu.dma_semaphore, #tpu.memory_space<semaphore_mem>>) src(%dma_wait3A_108 : memref<10240x16xf32, #tpu.memory_space<vmem_shared>>) dst(%arg16 : memref<64x16xf32, #tpu.memory_space<vmem>>)
      tpu.yield
    }) : () -> ()
    %run_scoped3A_89 = arith.constant 6 : i32
    "tpu.region"() ({
      %run_scoped3A_96 = tpu.sem_alloc : memref<!tpu.dma_semaphore, #tpu.memory_space<semaphore_mem>>
      %dma_start3A_97 = arith.constant 0 : i32
      %dma_start3A_98 = arith.constant 0 : i32
      %dma_start3A_99 = tpu.memref_slice %arg9[%arg0, %arg1, %run_scoped3A_89, %dma_start3A_97, %dma_start3A_98] : memref<2x16x10x64x16xf32, #tpu.memory_space<hbm>> -> memref<1x1x1x64x16xf32, #tpu.memory_space<hbm>>
      %dma_start3A_100 = tpu.memref_squeeze %dma_start3A_99 : memref<1x1x1x64x16xf32, #tpu.memory_space<hbm>> -> memref<64x16xf32, #tpu.memory_space<hbm>>
      %dma_start3A_101 = arith.constant 0 : i32
      %dma_start3A_102 = arith.constant 0 : i32
      %dma_start3A_103 = tpu.memref_slice %arg9[%arg0, %arg1, %run_scoped3A_89, %dma_start3A_101, %dma_start3A_102] : memref<2x16x10x64x16xf32, #tpu.memory_space<hbm>> -> memref<1x1x1x64x16xf32, #tpu.memory_space<hbm>>
      %dma_start3A_104 = tpu.memref_squeeze %dma_start3A_103 : memref<1x1x1x64x16xf32, #tpu.memory_space<hbm>> -> memref<64x16xf32, #tpu.memory_space<hbm>>
      tpu.enqueue_dma source(%arg16 : memref<64x16xf32, #tpu.memory_space<vmem>>) target(%dma_start3A_104 : memref<64x16xf32, #tpu.memory_space<hbm>>) target_semaphore(%run_scoped3A_96 : memref<!tpu.dma_semaphore, #tpu.memory_space<semaphore_mem>>)
      %dma_wait3A_105 = arith.constant 0 : i32
      %dma_wait3A_106 = arith.constant 0 : i32
      %dma_wait3A_107 = tpu.memref_slice %arg9[%arg0, %arg1, %run_scoped3A_89, %dma_wait3A_105, %dma_wait3A_106] : memref<2x16x10x64x16xf32, #tpu.memory_space<hbm>> -> memref<1x1x1x64x16xf32, #tpu.memory_space<hbm>>
      %dma_wait3A_108 = tpu.memref_squeeze %dma_wait3A_107 : memref<1x1x1x64x16xf32, #tpu.memory_space<hbm>> -> memref<64x16xf32, #tpu.memory_space<hbm>>
      %dma_wait3A_109 = arith.constant 0 : i32
      %dma_wait3A_110 = arith.constant 0 : i32
      %dma_wait3A_111 = tpu.memref_slice %arg9[%arg0, %arg1, %run_scoped3A_89, %dma_wait3A_109, %dma_wait3A_110] : memref<2x16x10x64x16xf32, #tpu.memory_space<hbm>> -> memref<1x1x1x64x16xf32, #tpu.memory_space<hbm>>
      %dma_wait3A_112 = tpu.memref_squeeze %dma_wait3A_111 : memref<1x1x1x64x16xf32, #tpu.memory_space<hbm>> -> memref<64x16xf32, #tpu.memory_space<hbm>>
      tpu.wait_dma2 semaphore(%run_scoped3A_96 : memref<!tpu.dma_semaphore, #tpu.memory_space<semaphore_mem>>) src(%arg16 : memref<64x16xf32, #tpu.memory_space<vmem>>) dst(%dma_wait3A_112 : memref<64x16xf32, #tpu.memory_space<hbm>>)
      tpu.yield
    }) : () -> ()
    %run_scoped3A_90 = arith.constant 7 : i32
    "tpu.region"() ({
      %run_scoped3A_96 = tpu.sem_alloc : memref<!tpu.dma_semaphore, #tpu.memory_space<semaphore_mem>>
      %dma_start3A_97 = arith.constant 0 : i32
      %dma_start3A_98 = tpu.memref_slice %arg17[%run_scoped3A_90, %dma_start3A_97] : memref<10x64xi32, #tpu.memory_space<vmem>> -> memref<1x64xi32, #tpu.memory_space<vmem>>
      %dma_start3A_99 = tpu.memref_squeeze %dma_start3A_98 : memref<1x64xi32, #tpu.memory_space<vmem>> -> memref<64xi32, #tpu.memory_space<vmem>>
      %dma_start3A_100 = arith.constant 0 : i32
      %dma_start3A_101 = arith.constant 0 : i32
      %dma_start3A_102 = tpu.memref_slice %arg11[%dma_start3A_100, %dma_start3A_101] : memref<10240x16xf32, #tpu.memory_space<vmem_shared>> -> memref<10240x16xf32, #tpu.memory_space<vmem_shared>>
      tpu.enqueue_indirect_dma source(%dma_start3A_102 : memref<10240x16xf32, #tpu.memory_space<vmem_shared>>) target(%arg16 : memref<64x16xf32, #tpu.memory_space<vmem>>) offsets(%dma_start3A_99 : memref<64xi32, #tpu.memory_space<vmem>>) semaphore(%run_scoped3A_96 : memref<!tpu.dma_semaphore, #tpu.memory_space<semaphore_mem>>)
      %dma_wait3A_103 = arith.constant 0 : i32
      %dma_wait3A_104 = tpu.memref_slice %arg17[%run_scoped3A_90, %dma_wait3A_103] : memref<10x64xi32, #tpu.memory_space<vmem>> -> memref<1x64xi32, #tpu.memory_space<vmem>>
      %dma_wait3A_105 = tpu.memref_squeeze %dma_wait3A_104 : memref<1x64xi32, #tpu.memory_space<vmem>> -> memref<64xi32, #tpu.memory_space<vmem>>
      %dma_wait3A_106 = arith.constant 0 : i32
      %dma_wait3A_107 = arith.constant 0 : i32
      %dma_wait3A_108 = tpu.memref_slice %arg11[%dma_wait3A_106, %dma_wait3A_107] : memref<10240x16xf32, #tpu.memory_space<vmem_shared>> -> memref<10240x16xf32, #tpu.memory_space<vmem_shared>>
      tpu.wait_indirect_dma semaphore(%run_scoped3A_96 : memref<!tpu.dma_semaphore, #tpu.memory_space<semaphore_mem>>) src(%dma_wait3A_108 : memref<10240x16xf32, #tpu.memory_space<vmem_shared>>) dst(%arg16 : memref<64x16xf32, #tpu.memory_space<vmem>>)
      tpu.yield
    }) : () -> ()
    %run_scoped3A_91 = arith.constant 7 : i32
    "tpu.region"() ({
      %run_scoped3A_96 = tpu.sem_alloc : memref<!tpu.dma_semaphore, #tpu.memory_space<semaphore_mem>>
      %dma_start3A_97 = arith.constant 0 : i32
      %dma_start3A_98 = arith.constant 0 : i32
      %dma_start3A_99 = tpu.memref_slice %arg9[%arg0, %arg1, %run_scoped3A_91, %dma_start3A_97, %dma_start3A_98] : memref<2x16x10x64x16xf32, #tpu.memory_space<hbm>> -> memref<1x1x1x64x16xf32, #tpu.memory_space<hbm>>
      %dma_start3A_100 = tpu.memref_squeeze %dma_start3A_99 : memref<1x1x1x64x16xf32, #tpu.memory_space<hbm>> -> memref<64x16xf32, #tpu.memory_space<hbm>>
      %dma_start3A_101 = arith.constant 0 : i32
      %dma_start3A_102 = arith.constant 0 : i32
      %dma_start3A_103 = tpu.memref_slice %arg9[%arg0, %arg1, %run_scoped3A_91, %dma_start3A_101, %dma_start3A_102] : memref<2x16x10x64x16xf32, #tpu.memory_space<hbm>> -> memref<1x1x1x64x16xf32, #tpu.memory_space<hbm>>
      %dma_start3A_104 = tpu.memref_squeeze %dma_start3A_103 : memref<1x1x1x64x16xf32, #tpu.memory_space<hbm>> -> memref<64x16xf32, #tpu.memory_space<hbm>>
      tpu.enqueue_dma source(%arg16 : memref<64x16xf32, #tpu.memory_space<vmem>>) target(%dma_start3A_104 : memref<64x16xf32, #tpu.memory_space<hbm>>) target_semaphore(%run_scoped3A_96 : memref<!tpu.dma_semaphore, #tpu.memory_space<semaphore_mem>>)
      %dma_wait3A_105 = arith.constant 0 : i32
      %dma_wait3A_106 = arith.constant 0 : i32
      %dma_wait3A_107 = tpu.memref_slice %arg9[%arg0, %arg1, %run_scoped3A_91, %dma_wait3A_105, %dma_wait3A_106] : memref<2x16x10x64x16xf32, #tpu.memory_space<hbm>> -> memref<1x1x1x64x16xf32, #tpu.memory_space<hbm>>
      %dma_wait3A_108 = tpu.memref_squeeze %dma_wait3A_107 : memref<1x1x1x64x16xf32, #tpu.memory_space<hbm>> -> memref<64x16xf32, #tpu.memory_space<hbm>>
      %dma_wait3A_109 = arith.constant 0 : i32
      %dma_wait3A_110 = arith.constant 0 : i32
      %dma_wait3A_111 = tpu.memref_slice %arg9[%arg0, %arg1, %run_scoped3A_91, %dma_wait3A_109, %dma_wait3A_110] : memref<2x16x10x64x16xf32, #tpu.memory_space<hbm>> -> memref<1x1x1x64x16xf32, #tpu.memory_space<hbm>>
      %dma_wait3A_112 = tpu.memref_squeeze %dma_wait3A_111 : memref<1x1x1x64x16xf32, #tpu.memory_space<hbm>> -> memref<64x16xf32, #tpu.memory_space<hbm>>
      tpu.wait_dma2 semaphore(%run_scoped3A_96 : memref<!tpu.dma_semaphore, #tpu.memory_space<semaphore_mem>>) src(%arg16 : memref<64x16xf32, #tpu.memory_space<vmem>>) dst(%dma_wait3A_112 : memref<64x16xf32, #tpu.memory_space<hbm>>)
      tpu.yield
    }) : () -> ()
    %run_scoped3A_92 = arith.constant 8 : i32
    "tpu.region"() ({
      %run_scoped3A_96 = tpu.sem_alloc : memref<!tpu.dma_semaphore, #tpu.memory_space<semaphore_mem>>
      %dma_start3A_97 = arith.constant 0 : i32
      %dma_start3A_98 = tpu.memref_slice %arg17[%run_scoped3A_92, %dma_start3A_97] : memref<10x64xi32, #tpu.memory_space<vmem>> -> memref<1x64xi32, #tpu.memory_space<vmem>>
      %dma_start3A_99 = tpu.memref_squeeze %dma_start3A_98 : memref<1x64xi32, #tpu.memory_space<vmem>> -> memref<64xi32, #tpu.memory_space<vmem>>
      %dma_start3A_100 = arith.constant 0 : i32
      %dma_start3A_101 = arith.constant 0 : i32
      %dma_start3A_102 = tpu.memref_slice %arg11[%dma_start3A_100, %dma_start3A_101] : memref<10240x16xf32, #tpu.memory_space<vmem_shared>> -> memref<10240x16xf32, #tpu.memory_space<vmem_shared>>
      tpu.enqueue_indirect_dma source(%dma_start3A_102 : memref<10240x16xf32, #tpu.memory_space<vmem_shared>>) target(%arg16 : memref<64x16xf32, #tpu.memory_space<vmem>>) offsets(%dma_start3A_99 : memref<64xi32, #tpu.memory_space<vmem>>) semaphore(%run_scoped3A_96 : memref<!tpu.dma_semaphore, #tpu.memory_space<semaphore_mem>>)
      %dma_wait3A_103 = arith.constant 0 : i32
      %dma_wait3A_104 = tpu.memref_slice %arg17[%run_scoped3A_92, %dma_wait3A_103] : memref<10x64xi32, #tpu.memory_space<vmem>> -> memref<1x64xi32, #tpu.memory_space<vmem>>
      %dma_wait3A_105 = tpu.memref_squeeze %dma_wait3A_104 : memref<1x64xi32, #tpu.memory_space<vmem>> -> memref<64xi32, #tpu.memory_space<vmem>>
      %dma_wait3A_106 = arith.constant 0 : i32
      %dma_wait3A_107 = arith.constant 0 : i32
      %dma_wait3A_108 = tpu.memref_slice %arg11[%dma_wait3A_106, %dma_wait3A_107] : memref<10240x16xf32, #tpu.memory_space<vmem_shared>> -> memref<10240x16xf32, #tpu.memory_space<vmem_shared>>
      tpu.wait_indirect_dma semaphore(%run_scoped3A_96 : memref<!tpu.dma_semaphore, #tpu.memory_space<semaphore_mem>>) src(%dma_wait3A_108 : memref<10240x16xf32, #tpu.memory_space<vmem_shared>>) dst(%arg16 : memref<64x16xf32, #tpu.memory_space<vmem>>)
      tpu.yield
    }) : () -> ()
    %run_scoped3A_93 = arith.constant 8 : i32
    "tpu.region"() ({
      %run_scoped3A_96 = tpu.sem_alloc : memref<!tpu.dma_semaphore, #tpu.memory_space<semaphore_mem>>
      %dma_start3A_97 = arith.constant 0 : i32
      %dma_start3A_98 = arith.constant 0 : i32
      %dma_start3A_99 = tpu.memref_slice %arg9[%arg0, %arg1, %run_scoped3A_93, %dma_start3A_97, %dma_start3A_98] : memref<2x16x10x64x16xf32, #tpu.memory_space<hbm>> -> memref<1x1x1x64x16xf32, #tpu.memory_space<hbm>>
      %dma_start3A_100 = tpu.memref_squeeze %dma_start3A_99 : memref<1x1x1x64x16xf32, #tpu.memory_space<hbm>> -> memref<64x16xf32, #tpu.memory_space<hbm>>
      %dma_start3A_101 = arith.constant 0 : i32
      %dma_start3A_102 = arith.constant 0 : i32
      %dma_start3A_103 = tpu.memref_slice %arg9[%arg0, %arg1, %run_scoped3A_93, %dma_start3A_101, %dma_start3A_102] : memref<2x16x10x64x16xf32, #tpu.memory_space<hbm>> -> memref<1x1x1x64x16xf32, #tpu.memory_space<hbm>>
      %dma_start3A_104 = tpu.memref_squeeze %dma_start3A_103 : memref<1x1x1x64x16xf32, #tpu.memory_space<hbm>> -> memref<64x16xf32, #tpu.memory_space<hbm>>
      tpu.enqueue_dma source(%arg16 : memref<64x16xf32, #tpu.memory_space<vmem>>) target(%dma_start3A_104 : memref<64x16xf32, #tpu.memory_space<hbm>>) target_semaphore(%run_scoped3A_96 : memref<!tpu.dma_semaphore, #tpu.memory_space<semaphore_mem>>)
      %dma_wait3A_105 = arith.constant 0 : i32
      %dma_wait3A_106 = arith.constant 0 : i32
      %dma_wait3A_107 = tpu.memref_slice %arg9[%arg0, %arg1, %run_scoped3A_93, %dma_wait3A_105, %dma_wait3A_106] : memref<2x16x10x64x16xf32, #tpu.memory_space<hbm>> -> memref<1x1x1x64x16xf32, #tpu.memory_space<hbm>>
      %dma_wait3A_108 = tpu.memref_squeeze %dma_wait3A_107 : memref<1x1x1x64x16xf32, #tpu.memory_space<hbm>> -> memref<64x16xf32, #tpu.memory_space<hbm>>
      %dma_wait3A_109 = arith.constant 0 : i32
      %dma_wait3A_110 = arith.constant 0 : i32
      %dma_wait3A_111 = tpu.memref_slice %arg9[%arg0, %arg1, %run_scoped3A_93, %dma_wait3A_109, %dma_wait3A_110] : memref<2x16x10x64x16xf32, #tpu.memory_space<hbm>> -> memref<1x1x1x64x16xf32, #tpu.memory_space<hbm>>
      %dma_wait3A_112 = tpu.memref_squeeze %dma_wait3A_111 : memref<1x1x1x64x16xf32, #tpu.memory_space<hbm>> -> memref<64x16xf32, #tpu.memory_space<hbm>>
      tpu.wait_dma2 semaphore(%run_scoped3A_96 : memref<!tpu.dma_semaphore, #tpu.memory_space<semaphore_mem>>) src(%arg16 : memref<64x16xf32, #tpu.memory_space<vmem>>) dst(%dma_wait3A_112 : memref<64x16xf32, #tpu.memory_space<hbm>>)
      tpu.yield
    }) : () -> ()
    %run_scoped3A_94 = arith.constant 9 : i32
    "tpu.region"() ({
      %run_scoped3A_96 = tpu.sem_alloc : memref<!tpu.dma_semaphore, #tpu.memory_space<semaphore_mem>>
      %dma_start3A_97 = arith.constant 0 : i32
      %dma_start3A_98 = tpu.memref_slice %arg17[%run_scoped3A_94, %dma_start3A_97] : memref<10x64xi32, #tpu.memory_space<vmem>> -> memref<1x64xi32, #tpu.memory_space<vmem>>
      %dma_start3A_99 = tpu.memref_squeeze %dma_start3A_98 : memref<1x64xi32, #tpu.memory_space<vmem>> -> memref<64xi32, #tpu.memory_space<vmem>>
      %dma_start3A_100 = arith.constant 0 : i32
      %dma_start3A_101 = arith.constant 0 : i32
      %dma_start3A_102 = tpu.memref_slice %arg11[%dma_start3A_100, %dma_start3A_101] : memref<10240x16xf32, #tpu.memory_space<vmem_shared>> -> memref<10240x16xf32, #tpu.memory_space<vmem_shared>>
      tpu.enqueue_indirect_dma source(%dma_start3A_102 : memref<10240x16xf32, #tpu.memory_space<vmem_shared>>) target(%arg16 : memref<64x16xf32, #tpu.memory_space<vmem>>) offsets(%dma_start3A_99 : memref<64xi32, #tpu.memory_space<vmem>>) semaphore(%run_scoped3A_96 : memref<!tpu.dma_semaphore, #tpu.memory_space<semaphore_mem>>)
      %dma_wait3A_103 = arith.constant 0 : i32
      %dma_wait3A_104 = tpu.memref_slice %arg17[%run_scoped3A_94, %dma_wait3A_103] : memref<10x64xi32, #tpu.memory_space<vmem>> -> memref<1x64xi32, #tpu.memory_space<vmem>>
      %dma_wait3A_105 = tpu.memref_squeeze %dma_wait3A_104 : memref<1x64xi32, #tpu.memory_space<vmem>> -> memref<64xi32, #tpu.memory_space<vmem>>
      %dma_wait3A_106 = arith.constant 0 : i32
      %dma_wait3A_107 = arith.constant 0 : i32
      %dma_wait3A_108 = tpu.memref_slice %arg11[%dma_wait3A_106, %dma_wait3A_107] : memref<10240x16xf32, #tpu.memory_space<vmem_shared>> -> memref<10240x16xf32, #tpu.memory_space<vmem_shared>>
      tpu.wait_indirect_dma semaphore(%run_scoped3A_96 : memref<!tpu.dma_semaphore, #tpu.memory_space<semaphore_mem>>) src(%dma_wait3A_108 : memref<10240x16xf32, #tpu.memory_space<vmem_shared>>) dst(%arg16 : memref<64x16xf32, #tpu.memory_space<vmem>>)
      tpu.yield
    }) : () -> ()
    %run_scoped3A_95 = arith.constant 9 : i32
    "tpu.region"() ({
      %run_scoped3A_96 = tpu.sem_alloc : memref<!tpu.dma_semaphore, #tpu.memory_space<semaphore_mem>>
      %dma_start3A_97 = arith.constant 0 : i32
      %dma_start3A_98 = arith.constant 0 : i32
      %dma_start3A_99 = tpu.memref_slice %arg9[%arg0, %arg1, %run_scoped3A_95, %dma_start3A_97, %dma_start3A_98] : memref<2x16x10x64x16xf32, #tpu.memory_space<hbm>> -> memref<1x1x1x64x16xf32, #tpu.memory_space<hbm>>
      %dma_start3A_100 = tpu.memref_squeeze %dma_start3A_99 : memref<1x1x1x64x16xf32, #tpu.memory_space<hbm>> -> memref<64x16xf32, #tpu.memory_space<hbm>>
      %dma_start3A_101 = arith.constant 0 : i32
      %dma_start3A_102 = arith.constant 0 : i32
      %dma_start3A_103 = tpu.memref_slice %arg9[%arg0, %arg1, %run_scoped3A_95, %dma_start3A_101, %dma_start3A_102] : memref<2x16x10x64x16xf32, #tpu.memory_space<hbm>> -> memref<1x1x1x64x16xf32, #tpu.memory_space<hbm>>
      %dma_start3A_104 = tpu.memref_squeeze %dma_start3A_103 : memref<1x1x1x64x16xf32, #tpu.memory_space<hbm>> -> memref<64x16xf32, #tpu.memory_space<hbm>>
      tpu.enqueue_dma source(%arg16 : memref<64x16xf32, #tpu.memory_space<vmem>>) target(%dma_start3A_104 : memref<64x16xf32, #tpu.memory_space<hbm>>) target_semaphore(%run_scoped3A_96 : memref<!tpu.dma_semaphore, #tpu.memory_space<semaphore_mem>>)
      %dma_wait3A_105 = arith.constant 0 : i32
      %dma_wait3A_106 = arith.constant 0 : i32
      %dma_wait3A_107 = tpu.memref_slice %arg9[%arg0, %arg1, %run_scoped3A_95, %dma_wait3A_105, %dma_wait3A_106] : memref<2x16x10x64x16xf32, #tpu.memory_space<hbm>> -> memref<1x1x1x64x16xf32, #tpu.memory_space<hbm>>
      %dma_wait3A_108 = tpu.memref_squeeze %dma_wait3A_107 : memref<1x1x1x64x16xf32, #tpu.memory_space<hbm>> -> memref<64x16xf32, #tpu.memory_space<hbm>>
      %dma_wait3A_109 = arith.constant 0 : i32
      %dma_wait3A_110 = arith.constant 0 : i32
      %dma_wait3A_111 = tpu.memref_slice %arg9[%arg0, %arg1, %run_scoped3A_95, %dma_wait3A_109, %dma_wait3A_110] : memref<2x16x10x64x16xf32, #tpu.memory_space<hbm>> -> memref<1x1x1x64x16xf32, #tpu.memory_space<hbm>>
      %dma_wait3A_112 = tpu.memref_squeeze %dma_wait3A_111 : memref<1x1x1x64x16xf32, #tpu.memory_space<hbm>> -> memref<64x16xf32, #tpu.memory_space<hbm>>
      tpu.wait_dma2 semaphore(%run_scoped3A_96 : memref<!tpu.dma_semaphore, #tpu.memory_space<semaphore_mem>>) src(%arg16 : memref<64x16xf32, #tpu.memory_space<vmem>>) dst(%dma_wait3A_112 : memref<64x16xf32, #tpu.memory_space<hbm>>)
      tpu.yield
    }) : () -> ()
    return
  }
}

module attributes {stable_mosaic.version = 14 : i64} {
  func.func @_tc_body(%arg0: i32, %arg1: memref<2x1024x128xf32, #tpu.memory_space<vmem>>, %arg2: memref<2x1024x16xf32, #tpu.memory_space<vmem>>, %arg3: memref<128x128xf32, #tpu.memory_space<vmem>>, %arg4: memref<1x128xf32, #tpu.memory_space<vmem>>, %arg5: memref<1024x128xf32, #tpu.memory_space<vmem>>) attributes {dimension_semantics = [#tpu.dimension_semantics<arbitrary>], iteration_bounds = array<i64: 10>, scalar_prefetch = 0 : i64, scratch_operands = 0 : i64, tpu.core_type = #tpu.core_type<tc>, window_params = [{transform_indices = @transform_0, window_bounds = array<i64: 2, 1024, 128>}, {transform_indices = @transform_1, window_bounds = array<i64: 2, 1024, 16>}, {pipeline_mode = #tpu.pipeline_mode<synchronous>, transform_indices = @transform_2, window_bounds = array<i64: 128, 128>}, {pipeline_mode = #tpu.pipeline_mode<synchronous>, transform_indices = @transform_3, window_bounds = array<i64: 1, 128>}, {transform_indices = @transform_4, window_bounds = array<i64: 1024, 128>}]} {
    %get3A = arith.constant 0 : index
    %get3A_0 = arith.constant 0 : index
    %get3A_1 = arith.constant 0 : index
    %get3A_2 = vector.load %arg1[%get3A, %get3A_0, %get3A_1] : memref<2x1024x128xf32, #tpu.memory_space<vmem>>, vector<1x1024x128xf32>
    %get3A_3 = vector.shape_cast %get3A_2 : vector<1x1024x128xf32> to vector<1024x128xf32>
    %get3A_4 = arith.constant 1 : index
    %get3A_5 = arith.constant 0 : index
    %get3A_6 = arith.constant 0 : index
    %get3A_7 = vector.load %arg1[%get3A_4, %get3A_5, %get3A_6] : memref<2x1024x128xf32, #tpu.memory_space<vmem>>, vector<1x1024x128xf32>
    %get3A_8 = vector.shape_cast %get3A_7 : vector<1x1024x128xf32> to vector<1024x128xf32>
    %add3A = arith.addf %get3A_3, %get3A_8 : vector<1024x128xf32>
    %get3A_9 = arith.constant 0 : index
    %get3A_10 = arith.constant 0 : index
    %get3A_11 = arith.constant 0 : index
    %get3A_12 = vector.load %arg2[%get3A_9, %get3A_10, %get3A_11] : memref<2x1024x16xf32, #tpu.memory_space<vmem>>, vector<1x1024x1xf32>
    %get3A_13 = vector.shape_cast %get3A_12 : vector<1x1024x1xf32> to vector<1024x1xf32>
    %get3A_14 = arith.constant 1 : index
    %get3A_15 = arith.constant 0 : index
    %get3A_16 = arith.constant 0 : index
    %get3A_17 = vector.load %arg2[%get3A_14, %get3A_15, %get3A_16] : memref<2x1024x16xf32, #tpu.memory_space<vmem>>, vector<1x1024x1xf32>
    %get3A_18 = vector.shape_cast %get3A_17 : vector<1x1024x1xf32> to vector<1024x1xf32>
    %add3A_19 = arith.addf %get3A_13, %get3A_18 : vector<1024x1xf32>
    %sub3A = arith.constant 2.000000e+00 : f32
    %sub3A_20 = vector.broadcast %sub3A : f32 to vector<1024x1xf32>
    %sub3A_21 = arith.subf %add3A_19, %sub3A_20 : vector<1024x1xf32>
    %max3A = arith.constant 1.000000e+00 : f32
    %max3A_22 = vector.broadcast %max3A : f32 to vector<1024x1xf32>
    %max3A_23 = arith.maximumf %sub3A_21, %max3A_22 : vector<1024x1xf32>
    %div3A = vector.broadcast %max3A_23 : vector<1024x1xf32> to vector<1024x128xf32>
    %div3A_24 = arith.divf %add3A, %div3A : vector<1024x128xf32>
    %get3A_25 = arith.constant 0 : index
    %get3A_26 = arith.constant 0 : index
    %get3A_27 = vector.load %arg3[%get3A_25, %get3A_26] : memref<128x128xf32, #tpu.memory_space<vmem>>, vector<128x128xf32>
    %dot_general3A = arith.constant dense<0.000000e+00> : vector<1024x128xf32>
    %dot_general3A_28 = tpu.matmul %div3A_24, %get3A_27, %dot_general3A {dimension_numbers = #tpu.dot_dimension_numbers<[1], [0], [0], [1], [0, 0, 1, 1], [], []>, transpose_lhs_hint = false} : vector<1024x128xf32>, vector<128x128xf32>, vector<1024x128xf32> -> vector<1024x128xf32>
    %get3A_29 = arith.constant 0 : index
    %get3A_30 = arith.constant 0 : index
    %get3A_31 = vector.load %arg4[%get3A_29, %get3A_30] : memref<1x128xf32, #tpu.memory_space<vmem>>, vector<1x128xf32>
    %add3A_32 = vector.broadcast %get3A_31 : vector<1x128xf32> to vector<1024x128xf32>
    %add3A_33 = arith.addf %dot_general3A_28, %add3A_32 : vector<1024x128xf32>
    %max3A_34 = arith.constant 0.000000e+00 : f32
    %max3A_35 = vector.broadcast %max3A_34 : f32 to vector<1024x128xf32>
    %max3A_36 = arith.maximumf %add3A_33, %max3A_35 : vector<1024x128xf32>
    %swap3A = arith.constant 0 : index
    %swap3A_37 = arith.constant 0 : index
    %swap3A_38 = vector.load %arg5[%swap3A, %swap3A_37] : memref<1024x128xf32, #tpu.memory_space<vmem>>, vector<1024x128xf32>
    tpu.vector_store %arg5[%swap3A, %swap3A_37], %max3A_36 {strides = array<i32>} : memref<1024x128xf32, #tpu.memory_space<vmem>>, vector<1024x128xf32>,
    return
  }
  func.func @transform_0(%arg0: i32) -> (i32, i32, i32) {
    %c0_i32 = arith.constant 0 : i32
    %c0_i32_0 = arith.constant 0 : i32
    %c0_i32_1 = arith.constant 0 : i32
    return %c0_i32, %arg0, %c0_i32_0 : i32, i32, i32
  }
  func.func @transform_1(%arg0: i32) -> (i32, i32, i32) {
    %c0_i32 = arith.constant 0 : i32
    %c0_i32_0 = arith.constant 0 : i32
    %c0_i32_1 = arith.constant 0 : i32
    return %c0_i32, %arg0, %c0_i32_0 : i32, i32, i32
  }
  func.func @transform_2(%arg0: i32) -> (i32, i32) {
    %c0_i32 = arith.constant 0 : i32
    %c0_i32_0 = arith.constant 0 : i32
    %c0_i32_1 = arith.constant 0 : i32
    return %c0_i32, %c0_i32_0 : i32, i32
  }
  func.func @transform_3(%arg0: i32) -> (i32, i32) {
    %c0_i32 = arith.constant 0 : i32
    %c0_i32_0 = arith.constant 0 : i32
    %c0_i32_1 = arith.constant 0 : i32
    return %c0_i32, %c0_i32_0 : i32, i32
  }
  func.func @transform_4(%arg0: i32) -> (i32, i32) {
    %c0_i32 = arith.constant 0 : i32
    %c0_i32_0 = arith.constant 0 : i32
    return %arg0, %c0_i32 : i32, i32
  }
}

</mosaic_0001>

<sc_bundles>
// kernel: kernel.4.cloned.1.call-start
scs
__scs_entry_jumppad:
0x0: {  	(pc) =	sbr.rel $0x88, $3  }
0x1: {  	(tag) =	ssettag $0x0;
	lr =	simm.s32 $0x1  }
0x2: {  	[smem:$0x3F9D] =	sst lr;
	_ =	strace $0xD0000000  }
0x3: {  	_ = 	snop  }
0x4: {  	_ = 	snop  }
0x5: {  	_ = 	snop  }
0x6: {  	_ = 	snop  }
0x7: {  	_ = 	snop  }
__scs_overlays_trampoline_lowered:
0x8: {  	[smem:$0x3FAC] =	sst s0  }
0x9: {  	[smem:$0x3FAD] =	sst s1  }
0xa: {  	[smem:$0x3FAE] =	sst s2  }
0xb: {  	[smem:$0x3FAF] =	sst s3  }
0xc: {  	[smem:$0x3FB0] =	sst s4  }
0xd: {  	[smem:$0x3FB1] =	sst s5  }
0xe: {  	[smem:$0x3FB2] =	sst s6  }
0xf: {  	[smem:$0x3FB3] =	sst s7  }
0x10: {  	[smem:$0x3FB4] =	sst s8  }
0x11: {  	[smem:$0x3FB5] =	sst s9;
	s0 =	simm.s32 @!p0 $0x0  }
0x12: {  	s1 =	sld [smem:$0x3F9B];
	s0 =	simm.s32 @p0 $0x1  }
0x13: {  	[smem:$0x3FB6] =	sst s0;
	s0 =	simm.s32 @!p1 $0x0  }
0x14: {  	s2 =	sld [smem:$0x3F9A];
	s0 =	simm.s32 @p1 $0x1  }
0x15: {  	[smem:$0x3FB7] =	sst s0;
	s0 =	simm.s32 @!p2 $0x0  }
0x16: {  	s3 =	sld [smem:$0x3FDB];
	s0 =	simm.s32 @p2 $0x1  }
0x17: {  	s4 =	simm.s32 $0x1BF5;
	[smem:$0x3FB9] =	sst s0  }
0x18: {  	s0 =	sld [smem:$0x3F9C];
	_ =	swait.ge [sflag:s4], $0x0  }
0x19: {  	s7 =	sld [smem:$0x3F9D]  }
0x1a: {  	s8 =	sadd.s32 $0xFFFFE003, lr  }
0x1b: {  	s9 =	sadd.s32 $0xFFFFFEF7, lr;
	s5 =	simm.s32 $0xFFFFFFFF;
	p2 =	slt.u32 s8, $0xFFFFF086  }
0x1c: {  	p1 =	slt.u32 s9, $0xF7A;
	s5 =	simm.s32 @!p2 $0x0  }
0x1d: {  	s5 =	simm.s32 @p1 $0x1;
	p0 =	seq.s32 s7, s2  }
0x1e: {  	s7 =	smul.u32 @!p0 $0xF7A, s2;
	p2 =	seq.s32 @!p0 s5, $0x0  }
0x1f: {  	s9 =	smul.u32 $0xF7A, s1;
	s8 =	simm.s32 @!p0 $0x1BF5;
	p2 =	por !p2, p0  }
0x20: {  	[sflag:s8] =	ssyncset.s32 @!p0 $0xFFFFF086;
	s6 =	sadd.s32 @!p0 s3, s7;
	s7 =	simm.s32 @!p0 $0x108  }
0x21: {  	s3 =	sadd.s32 s3, s9;
	s6 =	sadd.s32 @!p0 $0x88, s6;
	s7 =	simm.s32 @p2 $0x1082  }
0x22: {  	[simem:s7], [sflag:s8] =	dma.local @!p0 [hbm:s6], $0xF7A  }
0x23: {  	s9 =	sor.u32 $0xD0000000, s2;
	s6 =	simm.s32 $0x108;
	_ =	swait.ge @!p0 [sflag:s8], $0x0  }
0x24: {  	s3 =	sadd.s32 $0x88, s3;
	s6 =	simm.s32 @!p1 $0x1082;
	[sflag:s4] =	ssyncset.s32 $0xFFFFF086  }
0x25: {  	[simem:s6], [sflag:s4] =	dma.local [hbm:s3], $0xF7A  }
0x26: {  	[smem:$0x3F9D] =	sst s1;
	(tag) =	ssettag s2;
	_ =	strace s9  }
0x27: {  	s1 =	sld [smem:$0x3FAD]  }
0x28: {  	s2 =	sld [smem:$0x3FAE]  }
0x29: {  	s4 =	sld [smem:$0x3FB0]  }
0x2a: {  	p0 =	seq.s32 s5, $0x0;
	s5 =	sld [smem:$0x3FB1]  }
0x2b: {  	s6 =	sld [smem:$0x3FB2]  }
0x2c: {  	s7 =	sld [smem:$0x3FB3]  }
0x2d: {  	s3 =	simm.s32 $0x108;
	s8 =	sld [smem:$0x3FB4]  }
0x2e: {  	s3 =	simm.s32 @!p0 $0x1082;
	s9 =	sld [smem:$0x3FB5]  }
0x2f: {  	lr =	sadd.s32 s0, s3;
	s0 =	sld [smem:$0x3FAC]  }
0x30: {  	s3 =	sld [smem:$0x3FAF]  }
0x31: {  	[smem:$0x3FB8] =	sst s10  }
0x32: {  	s10 =	sld [smem:$0x3FB6];
	_ =	sdelay $0x3  }
0x33: {  	p0 =	seq.s32 s10, $0x1;
	s10 =	sld [smem:$0x3FB8];
	_ =	sdelay $0x3  }
0x34: {  	[smem:$0x3FB8] =	sst s10  }
0x35: {  	s10 =	sld [smem:$0x3FB7];
	_ =	sdelay $0x3  }
0x36: {  	p1 =	seq.s32 s10, $0x1;
	s10 =	sld [smem:$0x3FB8];
	_ =	sdelay $0x3  }
0x37: {  	[smem:$0x3FB8] =	sst s10  }
0x38: {  	s10 =	sld [smem:$0x3FB9]  }
0x39: {  	_ = 	snop;
	(pc) =	sbr.ind lr, $3  }
0x3a: {  	_ = 	snop  }
0x3b: {  	_ = 	snop  }
0x3c: {  	p2 =	seq.s32 s10, $0x1;
	s10 =	sld [smem:$0x3FB8]  }
0x3d: {  	_ =	shalt  }
0x3e: {  	_ =	shalt  }
0x3f: {  	_ =	shalt  }
0x40: {  	_ =	shalt  }
0x41: {  	_ =	shalt  }
0x42: {  	_ =	shalt  }
0x43: {  	_ =	shalt  }
0x44: {  	_ =	shalt  }
0x45: {  	_ =	shalt  }
0x46: {  	_ =	shalt  }
0x47: {  	_ =	shalt  }
0x48: {  	_ =	shalt  }
0x49: {  	_ =	shalt  }
0x4a: {  	_ =	shalt  }
0x4b: {  	_ =	shalt  }
0x4c: {  	_ =	shalt  }
0x4d: {  	_ =	shalt  }
0x4e: {  	_ =	shalt  }
0x4f: {  	_ =	shalt  }
0x50: {  	_ =	shalt  }
0x51: {  	_ =	shalt  }
0x52: {  	_ =	shalt  }
0x53: {  	_ =	shalt  }
0x54: {  	_ =	shalt  }
0x55: {  	_ =	shalt  }
0x56: {  	_ =	shalt  }
0x57: {  	_ =	shalt  }
0x58: {  	_ =	shalt  }
0x59: {  	_ =	shalt  }
0x5a: {  	_ =	shalt  }
0x5b: {  	_ =	shalt  }
0x5c: {  	_ =	shalt  }
0x5d: {  	_ =	shalt  }
0x5e: {  	_ =	shalt  }
0x5f: {  	_ =	shalt  }
0x60: {  	_ =	shalt  }
0x61: {  	_ =	shalt  }
0x62: {  	_ =	shalt  }
0x63: {  	_ =	shalt  }
0x64: {  	_ =	shalt  }
0x65: {  	_ =	shalt  }
0x66: {  	_ =	shalt  }
0x67: {  	_ =	shalt  }
0x68: {  	_ =	shalt  }
0x69: {  	_ =	shalt  }
0x6a: {  	_ =	shalt  }
0x6b: {  	_ =	shalt  }
0x6c: {  	_ =	shalt  }
0x6d: {  	_ =	shalt  }
0x6e: {  	_ =	shalt  }
0x6f: {  	_ =	shalt  }
0x70: {  	_ =	shalt  }
0x71: {  	_ =	shalt  }
0x72: {  	_ =	shalt  }
0x73: {  	_ =	shalt  }
0x74: {  	_ =	shalt  }
0x75: {  	_ =	shalt  }
0x76: {  	_ =	shalt  }
0x77: {  	_ =	shalt  }
0x78: {  	_ =	shalt  }
0x79: {  	_ =	shalt  }
0x7a: {  	_ =	shalt  }
0x7b: {  	_ =	shalt  }
0x7c: {  	_ =	shalt  }
0x7d: {  	_ =	shalt  }
0x7e: {  	_ =	shalt  }
0x7f: {  	_ =	shalt  }
0x80: {  	_ =	shalt  }
0x81: {  	_ =	shalt  }
0x82: {  	_ =	shalt  }
0x83: {  	_ =	shalt  }
0x84: {  	_ =	shalt  }
0x85: {  	_ =	shalt  }
0x86: {  	_ =	shalt  }
0x87: {  	_ =	shalt  }
.Lfunc_end0:
.L_simem_size_0:
called_computation_lowered:
.L_overlay_start_0:
0x88: {  	s2 =	sld [smem:$0x3FD9]  }
0x89: {  	s3 =	sld [smem:$0x3FFE];
	_ =	sdelay $0x1  }
0x8a: {  	s1 =	srdreg.scid  }
0x8b: {  	s0 =	sand.u32 $0x1, s1  }
0x8c: {  	s17 =	sshll.u32 s0, $0xA;
	s2 =	sadd.s32 s3, s2  }
0x8d: {  	s2 =	sadd.s32 s2, s17  }
0x8e: {  	[smem:$0x3FC4] =	sst s2  }
0x8f: {  	_ = 	snop  }
0x90: {  	s2 =	sld [smem:$0x3FC9]  }
0x91: {  	s18 =	sld [smem:$0x3FD0];
	(tm) =	ssettm $0x1  }
0x92: {  	s4 =	sld [smem:$0x3FFB];
	_ =	sdelay $0x3  }
0x93: {  	_ =	strace s4  }
0x94: {  	s4 =	sld [smem:$0x3FFC];
	_ =	sdelay $0x3  }
0x95: {  	_ =	strace s4  }
0x96: {  	s4 =	sld [smem:$0x3FFD];
	_ =	sdelay $0x3  }
0x97: {  	_ =	strace s4  }
0x98: {  	_ =	strace $0x8FFFFFFF  }
0x99: {  	s19 =	sld [smem:$0x3FDB];
	_ =	sdelay $0x1  }
0x9a: {  	s5 =	simm.s32 $_scs_section_size  }
0x9b: {  	s6 =	simm.s32 $_size__tile_overlayer_lowered;
	s7 =	simm.s32 $_tile_overlayer_lowered  }
0x9c: {  	s22 =	simm.s32 $0x1BFF;
	s21 =	sshll.u32 s7, $0x1;
	s4 =	sadd.s32 s5, s19  }
0x9d: {  	s8 =	simm.s32 $0x0;
	s20 =	sshll.u32 s6, $0x1;
	s6 =	sadd.s32 s21, s4  }
0x9e: {  	[timem:s8], [sflag:s22] =	dma.local [hbm:s6], s20  }
0x9f: {  	_ =	swait.ge [sflag:s22], s20  }
0xa0: {  	s5 =	ssub.s32 $0x0, s20;
	[sflag:s22] =	ssyncset.done $0x0  }
0xa1: {  	[sflag:s22] =	ssyncadd.s32 s5;
	_ =	sdelay $0x1  }
0xa2: {  	s23 =	simm.s32 $0x1B8B  }
0xa3: {  	_ =	swait.ge [sflag:s23], $0x1  }
0xa4: {  	[sflag:s23] =	ssyncset.done $0x0  }
0xa5: {  	s25 =	simm.s32 $0x1B8E;
	s24 =	sld [smem:$0x3FFE];
	[sflag:s23] =	ssyncadd.s32 $0xFFFFFFFF  }
0xa6: {  	s26 =	simm.s32 $execute0_lowered;
	[smem:$0x3FD2] =	sst s25  }
0xa7: {  	s6 =	sshll.u32 s26, $0x1;
	_ =	strace $0x80000046;
	[dreg:$0x1] =	wrdreg $0xFFFFFFFF  }
0xa8: {  	s28 =	simm.s32 $_size_execute0_lowered;
	s4 =	sadd.s32 s4, s6;
	[dreg:$0x0] =	wrdreg $0x0  }
0xa9: {  	s6 =	sshll.u32 s28, $0x1;
	[dreg:$0x2] =	wrdreg s4  }
0xaa: {  	[dreg:$0x3] =	wrdreg s6  }
0xab: {  	[dreg:$0x4] =	wrdreg $0xC0  }
0xac: {  	_ =	task [dreg:s8], $0x5FFFF  }
0xad: {  	[dreg:$0x1] =	wrdreg $0xFFFFFFFF  }
0xae: {  	[dreg:$0x0] =	wrdreg $0x60  }
0xaf: {  	[dreg:$0x2] =	wrdreg s2  }
0xb0: {  	[dreg:$0x3] =	wrdreg s18  }
0xb1: {  	[dreg:$0x4] =	wrdreg s24  }
0xb2: {  	[dreg:$0x5] =	wrdreg $0x0  }
0xb3: {  	[dreg:$0x6] =	wrdreg $0x140000  }
0xb4: {  	[dreg:$0x7] =	wrdreg $0x9  }
0xb5: {  	_ =	task.clear_ibuf [dreg:s8], $0x8FFFF;
	_ =	strace $0x90000046  }
0xb6: {  	s29 =	simm.s32 $0x9;
	_ =	strace $0x80000048  }
0xb7: {  	_ =	swait.ge [sflag:s29], $0x1  }
0xb8: {  	[sflag:s29] =	ssyncadd.s32 $0xFFFFFFFF  }
0xb9: {  	_ =	strace $0x90000048  }
0xba: {  	_ =	sfence  }
0xbb: {  	s30 =	sld [smem:$0x0];
	_ =	sdelay $0x2  }
0xbc: {  	s31 =	sshll.u32 s1, $0xD;
	s1 =	sshrl.u32 s1, $0x2  }
0xbd: {  	s3 =	sand.u32 $0x4000, s31;
	s1 =	sadd.s32 s1, s30  }
0xbe: {  	s0 =	sor.u32 s3, s0;
	s1 =	sshll.u32 s1, $0x11  }
0xbf: {  	s0 =	sor.u32 s1, s0  }
0xc0: {  	s0 =	sadd.s32 $0x8F2B, s0  }
0xc1: {  	[sflag:s0] =	ssyncadd.remote.s32 $0x1  }
0xc2: {  	_ =	sfence.sel $0xFFFF  }
0xc3: {  	[dreg:$0x0] =	wrdreg $0xFFFFFFFF;
	(pc) =	sbr.abs _section_cstart, $3  }
0xc4: {  	[dreg:$0x1] =	wrdreg $0xFFFFFFFF  }
0xc5: {  	_ =	task.clear_ibuf [dreg:s8], $0x2FFFF;
	_ =	strace $0x9FFFFFFF  }
0xc6: {  	(tm) =	ssettm $0x7FFFFFFF  }
0xc7: {  	_ =	shalt  }
tec
execute0_lowered:
.L_overlay_start_1:
0x0: {  	(tag) =	ssettag $0x1  }
0x1: {  	s1 =	rddreg [dreg:$0x0]  }
0x2: {  	s6 =	rddreg [dreg:$0x1]  }
0x3: {  	s7 =	rddreg [dreg:$0x2]  }
0x4: {  	s0 =	srdreg.scid;
	s3 =	rddreg [dreg:$0x3]  }
0x5: {  	s13 =	stileid.u32;
	s4 =	rddreg [dreg:$0x4];
	s5 =	simm.s32 $0x0  }
0x6: {  	s28 =	simm.s32 $0x16800;
	s29 =	simm.s32 $0x19080;
	s30 =	simm.s32 $0x40  }
0x7: {  	s31 =	simm.s32 $0x1FD40;
	s0 =	sand.u32 $0x1, s0;
	s8 =	smul.u32 $0x50, s13  }
0x8: {  	s9 =	smul.u32 $0x14000, s13;
	[smem:$0x7FF] =	sst s5;
	s14 =	sadd.s32 $0xAE00, s7  }
0x9: {  	s25 =	sadd.s32 $0xB000, s7;
	s2 =	sshll.u32 s0, $0x4;
	s10 =	smul.u32 $0x140000, s0  }
0xa: {  	s11 =	smul.u32 $0x28000, s0;
	_ =	strace $0x80000047;
	[dreg:$0x6] =	wrdreg s14  }
0xb: {  	[dreg:$0x7] =	wrdreg s25;
	s0 =	ssub.s32 $0x2, s0;
	s2 =	sor.u32 s13, s2  }
0xc: {  	s13 =	smul.u32 $0x2800, s13;
	s8 =	sadd.s32 s8, s7;
	s26 =	sshrl.u32 s0, $0x1  }
0xd: {  	s15 =	sadd.s32 s9, s3;
	s2 =	smul.u32 $0x510, s2;
	s10 =	sadd.s32 s9, s10  }
0xe: {  	s0 =	ssub.s32 s0, s26;
	s8 =	sadd.s32 $0x600, s8;
	[dreg:$0xb] =	wrdreg s15  }
0xf: {  	s11 =	sadd.s32 s13, s11;
	s10 =	sshrl.u32 s10, $0x3;
	[dreg:$0x8] =	wrdreg s8  }
0x10: {  	s12 =	sadd.s32 s2, s7;
	s11 =	sshrl.u32 s11, $0x3;
	s2 =	sadd.s32 s6, s2  }
0x11: {  	s10 =	sadd.s32 s10, s7;
	[dreg:$0x9] =	wrdreg s2;
	s14 =	sadd.s32 $0xC00, s12  }
0x12: {  	s7 =	sadd.s32 s11, s7;
	s16 =	sadd.s32 $0x17800, s10;
	[dreg:$0xa] =	wrdreg s14  }
0x13: {  	s9 =	simm.s32 $0x1FEC0;
	[dreg:$0xc] =	wrdreg s16;
	s17 =	sadd.s32 $0xD800, s7  }
0x14: {  	s15 =	simm.s32 $0x3;
	s18 =	sadd.s32 $0xD880, s7;
	[dreg:$0xd] =	wrdreg s17  }
0x15: {  	s8 =	simm.s32 $0x1FE80;
	s19 =	sadd.s32 $0xD900, s7;
	[dreg:$0xe] =	wrdreg s18  }
0x16: {  	s13 =	simm.s32 $0x1D900;
	s20 =	sadd.s32 $0xD980, s7;
	[dreg:$0xf] =	wrdreg s19  }
0x17: {  	s6 =	simm.s32 $0x1FE00;
	s21 =	sadd.s32 $0xDA00, s7;
	[dreg:$0x10] =	wrdreg s20  }
0x18: {  	s2 =	simm.s32 $0x1FD80;
	s22 =	sadd.s32 $0xDA80, s7;
	[dreg:$0x11] =	wrdreg s21  }
0x19: {  	s10 =	simm.s32 $0x1FF00;
	s23 =	sadd.s32 $0xDB00, s7;
	[dreg:$0x12] =	wrdreg s22  }
0x1a: {  	s11 =	simm.s32 $0x1FF40;
	s24 =	sadd.s32 $0xDB80, s7;
	[dreg:$0x13] =	wrdreg s23  }
0x1b: {  	s12 =	simm.s32 $0x1B900;
	s25 =	sadd.s32 $0xDC00, s7;
	[dreg:$0x14] =	wrdreg s24  }
0x1c: {  	s26 =	sadd.s32 $0xDC80, s7;
	s7 =	simm.s32 $0x1FE40;
	[dreg:$0x15] =	wrdreg s25  }
0x1d: {  	s14 =	simm.s32 $0x1;
	s16 =	simm.s32 $0x2;
	[dreg:$0x16] =	wrdreg s26  }
0x1e: {  	s23 =	smax.u32 s0, $0x1;
	s24 =	simm.s32 $0x1F900;
	s25 =	simm.s32 $0x4  }
0x1f: {  	s26 =	simm.s32 $0x1FD00;
	s0 =	simm.s32 $0x1FDC0;
	s17 =	simm.s32 $0x0  }
.LBB2_1:
0x20: {  	s18 =	rddreg [dreg:$0x6]  }
0x21: {  	[tilespmem:s24], [sflag:$0x4] =	stream.linear.gather [hbm4b:s18+s5], $0x400, $0x38;
	[tilespmem:$0x1FF80] =	vst v63  }
0x22: {  	_ =	swait.ge [sflag:s25], $0x400  }
0x23: {  	[sflag:s25] =	ssyncset.done $0x0  }
0x24: {  	s22 =	rddreg [dreg:$0x8];
	[sflag:s25] =	ssyncadd.s32 $0xFFFFFC00  }
0x25: {  	[tilespmem:s26], [sflag:$0x4] =	stream.linear.gather [hbm4b:s22+s5], $0x280, $0x38;
	[tilespmem:$0x1FF80] =	vst v63  }
0x26: {  	_ =	swait.ge [sflag:s25], $0x280  }
0x27: {  	[sflag:s25] =	ssyncset.done $0x0  }
0x28: {  	s19 =	rddreg [dreg:$0x9];
	[sflag:s25] =	ssyncadd.s32 $0xFFFFFD80  }
0x29: {  	[tilespmem:s28], [sflag:$0x4] =	stream.linear.gather [hbm4b:s19+s5], $0x2880, $0x38;
	[tilespmem:$0x1FF80] =	vst v63  }
0x2a: {  	_ =	swait.ge [sflag:s25], $0x2880  }
0x2b: {  	[sflag:s25] =	ssyncset.done $0x0  }
0x2c: {  	s21 =	stileid.u32;
	s20 =	rddreg [dreg:$0xa];
	[sflag:s25] =	ssyncadd.s32 $0xFFFFD780  }
0x2d: {  	[tilespmem:s29], [sflag:$0x4] =	stream.linear.gather [hbm4b:s20+s5], $0x2880, $0x38;
	[tilespmem:$0x1FF80] =	vst v63  }
0x2e: {  	s18 =	sshll.u32 s21, $0x6;
	_ =	swait.ge [sflag:s25], $0x2880  }
0x2f: {  	s18 =	sor.u32 $0x1C04, s18;
	[sflag:s25] =	ssyncset.done $0x0;
	s19 =	rddreg [dreg:$0xb]  }
0x30: {  	s20 =	rddreg [dreg:$0x7];
	[sflag:s25] =	ssyncadd.s32 $0xFFFFD780;
	s19 =	sshrl.u32 s19, $0x3  }
0x31: {  	[spmem:s19], [sflag:s18] =	dma.local [hbm:s20], $0x2800  }
0x32: {  	_ =	swait.ge [sflag:s25], $0x2800  }
0x33: {  	[sflag:s25] =	ssyncset.done $0x0  }
0x34: {  	[sflag:s25] =	ssyncadd.s32 $0xFFFFD800  }
0x35: {  	[spmem:s4] =	stream.indirect.scatter [tilespmem:s24], [sflag:$0x4], $0x10, s26, s30, $0xb8;
	[tilespmem:$0x1FF80] =	vst v63  }
0x36: {  	_ =	swait.ge [sflag:s25], $0x400  }
0x37: {  	[sflag:s25] =	ssyncset.done $0x0  }
0x38: {  	[sflag:s25] =	ssyncadd.s32 $0xFFFFFC00  }
0x39: {  	[spmem:s4] =	stream.indirect.scatter [tilespmem:s24], [sflag:$0x4], $0x10, s31, s30, $0xb8;
	[tilespmem:$0x1FF80] =	vst v63  }
0x3a: {  	_ =	swait.ge [sflag:s25], $0x400  }
0x3b: {  	[sflag:s25] =	ssyncset.done $0x0  }
0x3c: {  	[sflag:s25] =	ssyncadd.s32 $0xFFFFFC00  }
0x3d: {  	[spmem:s4] =	stream.indirect.scatter [tilespmem:s24], [sflag:$0x4], $0x10, s2, s30, $0xb8;
	[tilespmem:$0x1FF80] =	vst v63  }
0x3e: {  	_ =	swait.ge [sflag:s25], $0x400  }
0x3f: {  	[sflag:s25] =	ssyncset.done $0x0  }
0x40: {  	[sflag:s25] =	ssyncadd.s32 $0xFFFFFC00  }
0x41: {  	[spmem:s4] =	stream.indirect.scatter [tilespmem:s24], [sflag:$0x4], $0x10, s0, s30, $0xb8;
	[tilespmem:$0x1FF80] =	vst v63  }
0x42: {  	_ =	swait.ge [sflag:s25], $0x400  }
0x43: {  	[sflag:s25] =	ssyncset.done $0x0  }
0x44: {  	[sflag:s25] =	ssyncadd.s32 $0xFFFFFC00  }
0x45: {  	[spmem:s4] =	stream.indirect.scatter [tilespmem:s24], [sflag:$0x4], $0x10, s6, s30, $0xb8;
	[tilespmem:$0x1FF80] =	vst v63  }
0x46: {  	_ =	swait.ge [sflag:s25], $0x400  }
0x47: {  	[sflag:s25] =	ssyncset.done $0x0  }
0x48: {  	[sflag:s25] =	ssyncadd.s32 $0xFFFFFC00  }
0x49: {  	[spmem:s4] =	stream.indirect.scatter [tilespmem:s24], [sflag:$0x4], $0x10, s7, s30, $0xb8;
	[tilespmem:$0x1FF80] =	vst v63  }
0x4a: {  	_ =	swait.ge [sflag:s25], $0x400  }
0x4b: {  	[sflag:s25] =	ssyncset.done $0x0  }
0x4c: {  	[sflag:s25] =	ssyncadd.s32 $0xFFFFFC00  }
0x4d: {  	[spmem:s4] =	stream.indirect.scatter [tilespmem:s24], [sflag:$0x4], $0x10, s8, s30, $0xb8;
	[tilespmem:$0x1FF80] =	vst v63  }
0x4e: {  	_ =	swait.ge [sflag:s25], $0x400  }
0x4f: {  	[sflag:s25] =	ssyncset.done $0x0  }
0x50: {  	[sflag:s25] =	ssyncadd.s32 $0xFFFFFC00  }
0x51: {  	[spmem:s4] =	stream.indirect.scatter [tilespmem:s24], [sflag:$0x4], $0x10, s9, s30, $0xb8;
	[tilespmem:$0x1FF80] =	vst v63  }
0x52: {  	_ =	swait.ge [sflag:s25], $0x400  }
0x53: {  	[sflag:s25] =	ssyncset.done $0x0  }
0x54: {  	[sflag:s25] =	ssyncadd.s32 $0xFFFFFC00  }
0x55: {  	[spmem:s4] =	stream.indirect.scatter [tilespmem:s24], [sflag:$0x4], $0x10, s10, s30, $0xb8;
	[tilespmem:$0x1FF80] =	vst v63  }
0x56: {  	_ =	swait.ge [sflag:s25], $0x400  }
0x57: {  	[sflag:s25] =	ssyncset.done $0x0  }
0x58: {  	[sflag:s25] =	ssyncadd.s32 $0xFFFFFC00  }
0x59: {  	[spmem:s4] =	stream.indirect.scatter [tilespmem:s24], [sflag:$0x4], $0x10, s11, s30, $0xb8;
	[tilespmem:$0x1FF80] =	vst v63  }
0x5a: {  	_ =	swait.ge [sflag:s25], $0x400  }
0x5b: {  	[sflag:s25] =	ssyncset.done $0x0  }
0x5c: {  	[sflag:s25] =	ssyncadd.s32 $0xFFFFFC00  }
0x5d: {  	[bflag:$0x0] =	sbarrier.arrive $0xFFFF  }
0x5e: {  	[tilespmem:s12], [sflag:$0x1] =	stream.indirect.gather [hbm4b:s1+s30], $0x80, s28, s30, $0xb8;
	[tilespmem:$0x1FF80] =	vst v63  }
0x5f: {  	s22 =	simm.s32 $0x16840  }
0x60: {  	[tilespmem:s13], [sflag:$0x2] =	stream.indirect.gather [hbm4b:s1+s30], $0x80, s22, s30, $0xb8;
	[tilespmem:$0x1FF80] =	vst v63  }
0x61: {  	_ = 	snop  }
0x62: {  	[spmem:s4] =	stream.indirect.scatter.add.f32 [tilespmem:s24], [sflag:$0x3], $0x10, s29, s30, $0xb8;
	[tilespmem:$0x1FF80] =	vst v63  }
0x63: {  	s21 =	simm.s32 $0x190C0  }
0x64: {  	[spmem:s4] =	stream.indirect.scatter.add.f32 [tilespmem:s24], [sflag:$0x3], $0x10, s21, s30, $0xb8;
	[tilespmem:$0x1FF80] =	vst v63  }
0x65: {  	_ =	swait.ge [sflag:s14], $0x2000  }
0x66: {  	[sflag:s14] =	ssyncset.done $0x0  }
0x67: {  	s22 =	simm.s32 $0x19080;
	[sflag:s14] =	ssyncadd.s32 $0xFFFFE000  }
0x68: {  	[spmem:s3] =	stream.indirect.scatter.add.f32 [tilespmem:s12], [sflag:$0x4], $0x80, s22, s30, $0xb8;
	[tilespmem:$0x1FF80] =	vst v63  }
0x69: {  	_ =	swait.ge [sflag:s25], $0x2000  }
0x6a: {  	[sflag:s25] =	ssyncset.done $0x0  }
0x6b: {  	[sflag:s25] =	ssyncadd.s32 $0xFFFFE000  }
0x6c: {  	_ =	swait.ge [sflag:s15], $0x400  }
0x6d: {  	[sflag:s15] =	ssyncset.done $0x0  }
0x6e: {  	s21 =	simm.s32 $0x19100;
	[sflag:s15] =	ssyncadd.s32 $0xFFFFFC00  }
0x6f: {  	[spmem:s4] =	stream.indirect.scatter.add.f32 [tilespmem:s24], [sflag:$0x3], $0x10, s21, s30, $0xb8;
	[tilespmem:$0x1FF80] =	vst v63  }
0x70: {  	s22 =	simm.s32 $0x16880  }
0x71: {  	[tilespmem:s12], [sflag:$0x1] =	stream.indirect.gather [hbm4b:s1+s30], $0x80, s22, s30, $0xb8;
	[tilespmem:$0x1FF80] =	vst v63  }
0x72: {  	_ =	swait.ge [sflag:s16], $0x2000  }
0x73: {  	[sflag:s16] =	ssyncset.done $0x0  }
0x74: {  	s21 =	simm.s32 $0x190C0;
	[sflag:s16] =	ssyncadd.s32 $0xFFFFE000  }
0x75: {  	[spmem:s3] =	stream.indirect.scatter.add.f32 [tilespmem:s13], [sflag:$0x4], $0x80, s21, s30, $0xb8;
	[tilespmem:$0x1FF80] =	vst v63  }
0x76: {  	_ =	swait.ge [sflag:s25], $0x2000  }
0x77: {  	[sflag:s25] =	ssyncset.done $0x0  }
0x78: {  	[sflag:s25] =	ssyncadd.s32 $0xFFFFE000  }
0x79: {  	_ =	swait.ge [sflag:s15], $0x400  }
0x7a: {  	s20 =	simm.s32 $0x200;
	[sflag:s15] =	ssyncset.done $0x0  }
0x7b: {  	s22 =	simm.s32 $0x19140;
	s21 =	simm.s32 $0x168C0;
	[sflag:s15] =	ssyncadd.s32 $0xFFFFFC00  }
0x7c: {  	[spmem:s4] =	stream.indirect.scatter.add.f32 [tilespmem:s24], [sflag:$0x3], $0x10, s22, s30, $0xb8;
	[tilespmem:$0x1FF80] =	vst v63  }
.LBB2_2:
0x7d: {  	[tilespmem:s13], [sflag:$0x2] =	stream.indirect.gather [hbm4b:s1+s30], $0x80, s21, s30, $0xb8;
	[tilespmem:$0x1FF80] =	vst v63  }
0x7e: {  	s21 =	smov.u32 s20  }
0x7f: {  	p0 =	sne.s32 s20, $0x9E00;
	s20 =	sadd.s32 $0x200, s20;
	_ =	swait.ge [sflag:s14], $0x2000  }
0x80: {  	s21 =	sshra.s32 s21, $0x2;
	[sflag:s14] =	ssyncset.done $0x0  }
0x81: {  	s22 =	sadd.s32 $0x19080, s21;
	[sflag:s14] =	ssyncadd.s32 $0xFFFFE000  }
0x82: {  	[spmem:s3] =	stream.indirect.scatter.add.f32 [tilespmem:s12], [sflag:$0x4], $0x80, s22, s30, $0xb8;
	[tilespmem:$0x1FF80] =	vst v63  }
0x83: {  	_ =	swait.ge [sflag:s25], $0x2000  }
0x84: {  	[sflag:s25] =	ssyncset.done $0x0  }
0x85: {  	[sflag:s25] =	ssyncadd.s32 $0xFFFFE000  }
0x86: {  	_ =	swait.ge [sflag:s15], $0x400  }
0x87: {  	[sflag:s15] =	ssyncset.done $0x0  }
0x88: {  	s22 =	sadd.s32 $0x19100, s21;
	[sflag:s15] =	ssyncadd.s32 $0xFFFFFC00  }
0x89: {  	[spmem:s4] =	stream.indirect.scatter.add.f32 [tilespmem:s24], [sflag:$0x3], $0x10, s22, s30, $0xb8;
	[tilespmem:$0x1FF80] =	vst v63  }
0x8a: {  	s22 =	sadd.s32 $0x16880, s21  }
0x8b: {  	[tilespmem:s12], [sflag:$0x1] =	stream.indirect.gather [hbm4b:s1+s30], $0x80, s22, s30, $0xb8;
	[tilespmem:$0x1FF80] =	vst v63  }
0x8c: {  	_ =	swait.ge [sflag:s16], $0x2000  }
0x8d: {  	[sflag:s16] =	ssyncset.done $0x0  }
0x8e: {  	s22 =	sadd.s32 $0x190C0, s21;
	[sflag:s16] =	ssyncadd.s32 $0xFFFFE000  }
0x8f: {  	[spmem:s3] =	stream.indirect.scatter.add.f32 [tilespmem:s13], [sflag:$0x4], $0x80, s22, s30, $0xb8;
	[tilespmem:$0x1FF80] =	vst v63  }
0x90: {  	_ =	swait.ge [sflag:s25], $0x2000  }
0x91: {  	[sflag:s25] =	ssyncset.done $0x0  }
0x92: {  	[sflag:s25] =	ssyncadd.s32 $0xFFFFE000  }
.Ltmp0:
0x93: {  	_ =	swait.ge [sflag:s15], $0x400;
	(pc) =	sbr.rel @p0 .LBB2_2-.Ltmp0, $4  }
0x94: {  	[sflag:s15] =	ssyncset.done $0x0  }
0x95: {  	s22 =	sadd.s32 $0x19140, s21;
	[sflag:s15] =	ssyncadd.s32 $0xFFFFFC00  }
0x96: {  	[spmem:s4] =	stream.indirect.scatter.add.f32 [tilespmem:s24], [sflag:$0x3], $0x10, s22, s30, $0xb8;
	[tilespmem:$0x1FF80] =	vst v63  }
0x97: {  	s21 =	sadd.s32 $0x168C0, s21  }
0x98: {  	[tilespmem:s13], [sflag:$0x2] =	stream.indirect.gather [hbm4b:s1+s30], $0x80, s21, s30, $0xb8;
	[tilespmem:$0x1FF80] =	vst v63  }
0x99: {  	_ =	swait.ge [sflag:s14], $0x2000  }
0x9a: {  	[sflag:s14] =	ssyncset.done $0x0  }
0x9b: {  	[sflag:s14] =	ssyncadd.s32 $0xFFFFE000  }
0x9c: {  	_ =	swait.ge [sflag:s16], $0x2000  }
0x9d: {  	[sflag:s16] =	ssyncset.done $0x0  }
0x9e: {  	[sflag:s16] =	ssyncadd.s32 $0xFFFFE000  }
0x9f: {  	_ =	swait.ge [sflag:s15], $0x400  }
0xa0: {  	[sflag:s15] =	ssyncset.done $0x0  }
0xa1: {  	[sflag:s15] =	ssyncadd.s32 $0xFFFFFC00  }
0xa2: {  	_ =	swait.ge [sflag:s15], $0x400  }
0xa3: {  	[sflag:s15] =	ssyncset.done $0x0  }
0xa4: {  	[sflag:s15] =	ssyncadd.s32 $0xFFFFFC00  }
0xa5: {  	[bflag:$0x0] =	sbarrier.arrive $0xFFFF  }
0xa6: {  	s20 =	rddreg [dreg:$0xc]  }
0xa7: {  	[hbm:s20], [sflag:s18] =	dma.local [spmem:s19], $0x2800  }
0xa8: {  	_ =	swait.ge [sflag:s25], $0x2800  }
0xa9: {  	[sflag:s25] =	ssyncset.done $0x0  }
0xaa: {  	[sflag:s25] =	ssyncadd.s32 $0xFFFFD800  }
0xab: {  	[tilespmem:s24], [sflag:$0x4] =	stream.indirect.gather [spmem:s4], $0x10, s26, s30, $0xb8;
	[tilespmem:$0x1FF80] =	vst v63  }
0xac: {  	_ =	swait.ge [sflag:s25], $0x400  }
0xad: {  	[sflag:s25] =	ssyncset.done $0x0  }
0xae: {  	s21 =	rddreg [dreg:$0xd];
	[sflag:s25] =	ssyncadd.s32 $0xFFFFFC00  }
0xaf: {  	[hbm4b:s21+s5] =	stream.linear.scatter [tilespmem:s24], [sflag:$0x4], $0x400, $0x38;
	[tilespmem:$0x1FF80] =	vst v63  }
0xb0: {  	_ =	swait.ge [sflag:s25], $0x400  }
0xb1: {  	[sflag:s25] =	ssyncset.done $0x0  }
0xb2: {  	[sflag:s25] =	ssyncadd.s32 $0xFFFFFC00  }
0xb3: {  	[tilespmem:s24], [sflag:$0x4] =	stream.indirect.gather [spmem:s4], $0x10, s31, s30, $0xb8;
	[tilespmem:$0x1FF80] =	vst v63  }
0xb4: {  	_ =	swait.ge [sflag:s25], $0x400  }
0xb5: {  	[sflag:s25] =	ssyncset.done $0x0  }
0xb6: {  	s22 =	rddreg [dreg:$0xe];
	[sflag:s25] =	ssyncadd.s32 $0xFFFFFC00  }
0xb7: {  	[hbm4b:s22+s5] =	stream.linear.scatter [tilespmem:s24], [sflag:$0x4], $0x400, $0x38;
	[tilespmem:$0x1FF80] =	vst v63  }
0xb8: {  	_ =	swait.ge [sflag:s25], $0x400  }
0xb9: {  	[sflag:s25] =	ssyncset.done $0x0  }
0xba: {  	[sflag:s25] =	ssyncadd.s32 $0xFFFFFC00  }
0xbb: {  	[tilespmem:s24], [sflag:$0x4] =	stream.indirect.gather [spmem:s4], $0x10, s2, s30, $0xb8;
	[tilespmem:$0x1FF80] =	vst v63  }
0xbc: {  	_ =	swait.ge [sflag:s25], $0x400  }
0xbd: {  	[sflag:s25] =	ssyncset.done $0x0  }
0xbe: {  	s19 =	rddreg [dreg:$0xf];
	[sflag:s25] =	ssyncadd.s32 $0xFFFFFC00  }
0xbf: {  	[hbm4b:s19+s5] =	stream.linear.scatter [tilespmem:s24], [sflag:$0x4], $0x400, $0x38;
	[tilespmem:$0x1FF80] =	vst v63  }
0xc0: {  	_ =	swait.ge [sflag:s25], $0x400  }
0xc1: {  	[sflag:s25] =	ssyncset.done $0x0  }
0xc2: {  	[sflag:s25] =	ssyncadd.s32 $0xFFFFFC00  }
0xc3: {  	[tilespmem:s24], [sflag:$0x4] =	stream.indirect.gather [spmem:s4], $0x10, s0, s30, $0xb8;
	[tilespmem:$0x1FF80] =	vst v63  }
0xc4: {  	_ =	swait.ge [sflag:s25], $0x400  }
0xc5: {  	[sflag:s25] =	ssyncset.done $0x0  }
0xc6: {  	s20 =	rddreg [dreg:$0x10];
	[sflag:s25] =	ssyncadd.s32 $0xFFFFFC00  }
0xc7: {  	[hbm4b:s20+s5] =	stream.linear.scatter [tilespmem:s24], [sflag:$0x4], $0x400, $0x38;
	[tilespmem:$0x1FF80] =	vst v63  }
0xc8: {  	_ =	swait.ge [sflag:s25], $0x400  }
0xc9: {  	[sflag:s25] =	ssyncset.done $0x0  }
0xca: {  	[sflag:s25] =	ssyncadd.s32 $0xFFFFFC00  }
0xcb: {  	[tilespmem:s24], [sflag:$0x4] =	stream.indirect.gather [spmem:s4], $0x10, s6, s30, $0xb8;
	[tilespmem:$0x1FF80] =	vst v63  }
0xcc: {  	_ =	swait.ge [sflag:s25], $0x400  }
0xcd: {  	[sflag:s25] =	ssyncset.done $0x0  }
0xce: {  	s21 =	rddreg [dreg:$0x11];
	[sflag:s25] =	ssyncadd.s32 $0xFFFFFC00  }
0xcf: {  	[hbm4b:s21+s5] =	stream.linear.scatter [tilespmem:s24], [sflag:$0x4], $0x400, $0x38;
	[tilespmem:$0x1FF80] =	vst v63  }
0xd0: {  	_ =	swait.ge [sflag:s25], $0x400  }
0xd1: {  	[sflag:s25] =	ssyncset.done $0x0  }
0xd2: {  	[sflag:s25] =	ssyncadd.s32 $0xFFFFFC00  }
0xd3: {  	[tilespmem:s24], [sflag:$0x4] =	stream.indirect.gather [spmem:s4], $0x10, s7, s30, $0xb8;
	[tilespmem:$0x1FF80] =	vst v63  }
0xd4: {  	_ =	swait.ge [sflag:s25], $0x400  }
0xd5: {  	[sflag:s25] =	ssyncset.done $0x0  }
0xd6: {  	s22 =	rddreg [dreg:$0x12];
	[sflag:s25] =	ssyncadd.s32 $0xFFFFFC00  }
0xd7: {  	[hbm4b:s22+s5] =	stream.linear.scatter [tilespmem:s24], [sflag:$0x4], $0x400, $0x38;
	[tilespmem:$0x1FF80] =	vst v63  }
0xd8: {  	_ =	swait.ge [sflag:s25], $0x400  }
0xd9: {  	[sflag:s25] =	ssyncset.done $0x0  }
0xda: {  	[sflag:s25] =	ssyncadd.s32 $0xFFFFFC00  }
0xdb: {  	[tilespmem:s24], [sflag:$0x4] =	stream.indirect.gather [spmem:s4], $0x10, s8, s30, $0xb8;
	[tilespmem:$0x1FF80] =	vst v63  }
0xdc: {  	_ =	swait.ge [sflag:s25], $0x400  }
0xdd: {  	[sflag:s25] =	ssyncset.done $0x0  }
0xde: {  	s19 =	rddreg [dreg:$0x13];
	[sflag:s25] =	ssyncadd.s32 $0xFFFFFC00  }
0xdf: {  	[hbm4b:s19+s5] =	stream.linear.scatter [tilespmem:s24], [sflag:$0x4], $0x400, $0x38;
	[tilespmem:$0x1FF80] =	vst v63  }
0xe0: {  	_ =	swait.ge [sflag:s25], $0x400  }
0xe1: {  	[sflag:s25] =	ssyncset.done $0x0  }
0xe2: {  	[sflag:s25] =	ssyncadd.s32 $0xFFFFFC00  }
0xe3: {  	[tilespmem:s24], [sflag:$0x4] =	stream.indirect.gather [spmem:s4], $0x10, s9, s30, $0xb8;
	[tilespmem:$0x1FF80] =	vst v63  }
0xe4: {  	_ =	swait.ge [sflag:s25], $0x400  }
0xe5: {  	[sflag:s25] =	ssyncset.done $0x0  }
0xe6: {  	s20 =	rddreg [dreg:$0x14];
	[sflag:s25] =	ssyncadd.s32 $0xFFFFFC00  }
0xe7: {  	[hbm4b:s20+s5] =	stream.linear.scatter [tilespmem:s24], [sflag:$0x4], $0x400, $0x38;
	[tilespmem:$0x1FF80] =	vst v63  }
0xe8: {  	_ =	swait.ge [sflag:s25], $0x400  }
0xe9: {  	[sflag:s25] =	ssyncset.done $0x0  }
0xea: {  	[sflag:s25] =	ssyncadd.s32 $0xFFFFFC00  }
0xeb: {  	[tilespmem:s24], [sflag:$0x4] =	stream.indirect.gather [spmem:s4], $0x10, s10, s30, $0xb8;
	[tilespmem:$0x1FF80] =	vst v63  }
0xec: {  	_ =	swait.ge [sflag:s25], $0x400  }
0xed: {  	[sflag:s25] =	ssyncset.done $0x0  }
0xee: {  	s21 =	rddreg [dreg:$0x15];
	[sflag:s25] =	ssyncadd.s32 $0xFFFFFC00  }
0xef: {  	[hbm4b:s21+s5] =	stream.linear.scatter [tilespmem:s24], [sflag:$0x4], $0x400, $0x38;
	[tilespmem:$0x1FF80] =	vst v63  }
0xf0: {  	_ =	swait.ge [sflag:s25], $0x400  }
0xf1: {  	[sflag:s25] =	ssyncset.done $0x0  }
0xf2: {  	[sflag:s25] =	ssyncadd.s32 $0xFFFFFC00  }
0xf3: {  	[tilespmem:s24], [sflag:$0x4] =	stream.indirect.gather [spmem:s4], $0x10, s11, s30, $0xb8;
	[tilespmem:$0x1FF80] =	vst v63  }
0xf4: {  	s17 =	sadd.s32 $0x1, s17;
	_ =	swait.ge [sflag:s25], $0x400  }
0xf5: {  	p0 =	sne.s32 s17, s23;
	[sflag:s25] =	ssyncset.done $0x0  }
.Ltmp1:
0xf6: {  	s22 =	rddreg [dreg:$0x16];
	[sflag:s25] =	ssyncadd.s32 $0xFFFFFC00;
	(pc) =	sbr.rel @p0 .LBB2_1-.Ltmp1, $4  }
0xf7: {  	[hbm4b:s22+s5] =	stream.linear.scatter [tilespmem:s24], [sflag:$0x4], $0x400, $0x38;
	[tilespmem:$0x1FF80] =	vst v63  }
0xf8: {  	_ =	swait.ge [sflag:s25], $0x400  }
0xf9: {  	[sflag:s25] =	ssyncset.done $0x0  }
0xfa: {  	[sflag:s25] =	ssyncadd.s32 $0xFFFFFC00  }
0xfb: {  	_ =	sfence.sel $0x180000  }
0xfc: {  	[bflag:$0x0] =	sbarrier.arrive $0xFFFF  }
0xfd: {  	_ =	strace $0x90000047  }
0xfe: {  	s0 =	stileid.u32;
	[bflag:$0x2] =	sbarrier.arrive $0xFFFF  }
0xff: {  	p0 =	sne.s32 s0, $0x0;
	s0 =	rddreg [dreg:$0x5]  }
0x100: {  	s0 =	sadd.s32 @!p0 $0x100000, s0  }
0x101: {  	[sflag:s0] =	ssyncadd.tile.s32 @!p0 $0x1;
	_ =	shalt  }
.Lfunc_end2:
_tile_overlayer_lowered:
.L_overlay_start_2:
0x102: {  	(tag) =	ssettag $0x2  }
0x103: {  	s0 =	rddreg [dreg:$0x0];
	s2 =	stileid.u32  }
0x104: {  	s1 =	rddreg [dreg:$0x1];
	p0 =	sne.s32 s2, $0x0  }
0x105: {  	s3 =	rddreg [dreg:$0x2];
	[bflag:$0x3] =	sbarrier.arrive $0xFFFF;
	s2 =	simm.s32 @!p0 $0x1C04  }
0x106: {  	[timem:s3], [sflag:s2] =	dma.local @!p0 [hbm:s0], s1  }
0x107: {  	s0 =	simm.s32 @!p0 $0x4  }
0x108: {  	_ =	swait.ge @!p0 [sflag:s0], s1  }
0x109: {  	s1 =	ssub.s32 @!p0 $0x0, s1;
	[sflag:s0] =	ssyncset.done @!p0 $0x0  }
0x10a: {  	[sflag:s0] =	ssyncadd.s32 @!p0 s1  }
0x10b: {  	[bflag:$0x3] =	sbarrier.arrive $0xFFFF  }
0x10c: {  	_ =	shalt  }

</sc_bundles>
